<compile_context>
chip_gen: v7x
topology: tpu7x:2x2x1
jax: 0.10.2.dev20260603
libtpu: 0.0.44.dev20260713+nightly
codegen_flags: <defaults>
</compile_context>

<pallas_src>
import functools

import jax
import jax.numpy as jnp
from jax import lax
from jax.experimental import pallas as pl
from jax.experimental.pallas import tpu as pltpu
from jax.experimental.pallas import tpu_sc as plsc

HIDDEN = 64
NUM_CORES = 2
NUM_SUBCORES = 16
NUM_WORKERS = NUM_CORES * NUM_SUBCORES
SPLIT = 128
NBUF = 4


def _gather_kernel(rows_per_w, seq, idx_hbm, table_hbm, out_hbm,
                   idx_v, rows_v, g0sems, g1sems, wsems):
  n_rounds = rows_per_w // NBUF
  wid = lax.axis_index("s") * NUM_CORES + lax.axis_index("c")
  wbase = wid * rows_per_w
  tail = seq - SPLIT

  pltpu.sync_copy(
      idx_hbm.at[pl.ds(pl.multiple_of(wbase, 8), rows_per_w)], idx_v)

  def gather_copies(j, s):
    return (
        pltpu.make_async_copy(
            table_hbm.at[idx_v.at[j, pl.ds(0, SPLIT)]],
            rows_v.at[s, pl.ds(0, SPLIT)],
            g0sems[s]),
        pltpu.make_async_copy(
            table_hbm.at[idx_v.at[j, pl.ds(SPLIT, tail)]],
            rows_v.at[s, pl.ds(SPLIT, tail)],
            g1sems[s]),
    )

  def start_gather(j, s):
    c0, c1 = gather_copies(j, s)
    c0.start()
    c1.start()

  def wait_gather(j, s):
    c0, c1 = gather_copies(j, s)
    c0.wait()
    c1.wait()

  def write_copy(j, s):
    return pltpu.make_async_copy(
        rows_v.at[s],
        out_hbm.at[wbase + j],
        wsems[s])

  for s in range(NBUF):
    start_gather(s, s)

  def body(r, carry):
    for s in range(NBUF):
      j = r * NBUF + s
      wait_gather(j, s)
      write_copy(j, s).start()
    for s in range(NBUF):
      j = r * NBUF + s
      write_copy(j, s).wait()
      start_gather(j + NBUF, s)
    return carry

  lax.fori_loop(0, n_rounds - 1, body, 0)

  r = n_rounds - 1
  for s in range(NBUF):
    j = r * NBUF + s
    wait_gather(j, s)
    write_copy(j, s).start()
  for s in range(NBUF):
    write_copy(r * NBUF + s, s).wait()


def _build_call(n_rows, seq):
  assert n_rows % (NUM_WORKERS * NBUF) == 0
  rows_per_w = n_rows // NUM_WORKERS
  assert rows_per_w % 8 == 0 and seq % 8 == 0 and seq - SPLIT <= 128
  mesh = plsc.VectorSubcoreMesh(core_axis_name="c", subcore_axis_name="s")
  return pl.kernel(
      functools.partial(_gather_kernel, rows_per_w, seq),
      out_type=jax.ShapeDtypeStruct((n_rows, seq, HIDDEN), jnp.float32),
      mesh=mesh,
      scratch_types=[
          pltpu.VMEM((rows_per_w, seq), jnp.int32),
          pltpu.VMEM((NBUF, seq, HIDDEN), jnp.float32),
          [pltpu.SemaphoreType.DMA] * NBUF,
          [pltpu.SemaphoreType.DMA] * NBUF,
          [pltpu.SemaphoreType.DMA] * NBUF,
      ],
      compiler_params=pltpu.CompilerParams(use_tc_tiling_on_sc=False),
  )


@jax.jit
def kernel(input_ids, table):
  n_rows, seq = input_ids.shape
  idx = input_ids.astype(jnp.int32)
  return _build_call(n_rows, seq)(idx, table)

# --- scband reference (transcript-rebuilt; emitter-appended) ---
"""Pipeline reference for scband-token-embedding-41308995453584 (READ-ONLY COPY).

The authoritative reference and input builder live on the scoring server;
editing this copy changes nothing except your own understanding.
"""

import jax, jax.numpy as jnp
import numpy as np

VOCAB = 1000000
HIDDEN = 64
PAD_IDX = 0


def setup_inputs(seed: int = 0) -> dict:
    key = jax.random.key(seed)
    k_idx, k_tab = jax.random.split(key)
    input_ids = jax.random.randint(k_idx, (4096, 200), 0, VOCAB, dtype=jnp.int64) if jax.config.jax_enable_x64 else jax.random.randint(k_idx, (4096, 200), 0, VOCAB, dtype=jnp.int32)
    table = jax.random.normal(k_tab, (VOCAB, HIDDEN), dtype=jnp.float32)
    # nn.Embedding zeroes the padding_idx row at init
    table = table.at[PAD_IDX].set(0.0)
    return {"input_ids": input_ids, "table": table}


def reference(input_ids, table):
    # Faithful translation of nn.Embedding forward: a pure gather.
    # padding_idx affects gradients only, not the forward lookup.
    return jnp.take(table, input_ids, axis=0)

if __name__ == "__main__":
    import jax
    _d = setup_inputs()
    print(jax.jit(kernel)(*tuple(_d.values())))

</pallas_src>

<mosaic_0001>
#map = affine_map<(d0, d1) -> (0, 0)>
#map1 = affine_map<(d0, d1) -> (0, 0, 0)>
module attributes {stable_mosaic.version = 14 : i64} {
  func.func @_gather_kernel(%arg0: i32, %arg1: i32, %arg2: memref<4096x200xi32, #tpu.memory_space<hbm>>, %arg3: memref<1000000x64xf32, #tpu.memory_space<hbm>>, %arg4: memref<4096x200x64xf32, #tpu.memory_space<hbm>>, %arg5: memref<128x200xi32, #tpu.memory_space<vmem>>, %arg6: memref<4x200x64xf32, #tpu.memory_space<vmem>>, %arg7: memref<!tpu.dma_semaphore, #tpu.memory_space<semaphore_mem>>, %arg8: memref<!tpu.dma_semaphore, #tpu.memory_space<semaphore_mem>>, %arg9: memref<!tpu.dma_semaphore, #tpu.memory_space<semaphore_mem>>, %arg10: memref<!tpu.dma_semaphore, #tpu.memory_space<semaphore_mem>>, %arg11: memref<!tpu.dma_semaphore, #tpu.memory_space<semaphore_mem>>, %arg12: memref<!tpu.dma_semaphore, #tpu.memory_space<semaphore_mem>>, %arg13: memref<!tpu.dma_semaphore, #tpu.memory_space<semaphore_mem>>, %arg14: memref<!tpu.dma_semaphore, #tpu.memory_space<semaphore_mem>>, %arg15: memref<!tpu.dma_semaphore, #tpu.memory_space<semaphore_mem>>, %arg16: memref<!tpu.dma_semaphore, #tpu.memory_space<semaphore_mem>>, %arg17: memref<!tpu.dma_semaphore, #tpu.memory_space<semaphore_mem>>, %arg18: memref<!tpu.dma_semaphore, #tpu.memory_space<semaphore_mem>>) attributes {dimension_semantics = [#tpu.dimension_semantics<core_parallel>, #tpu.dimension_semantics<subcore_parallel>], iteration_bounds = array<i64: 2, 16>, scalar_prefetch = 0 : i64, scratch_operands = 14 : i64, tpu.core_type = #tpu.core_type<sc_vector_subcore>, window_params = [{transform_indices = #map}, {transform_indices = #map}, {transform_indices = #map1}]} {
    %mul3A = arith.constant 2 : i32
    %mul3A_0 = arith.muli %arg1, %mul3A : i32
    %add3A = arith.addi %mul3A_0, %arg0 : i32
    %mul3A_1 = arith.constant 128 : i32
    %mul3A_2 = arith.muli %add3A, %mul3A_1 : i32
    %multiple_of3A = tpu.assume_multiple %mul3A_2, 8 : i32
    "tpu.region"() ({
      %run_scoped3A = tpu.sem_alloc : memref<!tpu.dma_semaphore, #tpu.memory_space<semaphore_mem>>
      %dma_start3A_350 = arith.constant 0 : i32
      %dma_start3A_351 = tpu.memref_slice %arg2[%multiple_of3A, %dma_start3A_350] : memref<4096x200xi32, #tpu.memory_space<hbm>> -> memref<128x200xi32, #tpu.memory_space<hbm>>
      %dma_start3A_352 = arith.constant 0 : i32
      %dma_start3A_353 = tpu.memref_slice %arg2[%multiple_of3A, %dma_start3A_352] : memref<4096x200xi32, #tpu.memory_space<hbm>> -> memref<128x200xi32, #tpu.memory_space<hbm>>
      tpu.enqueue_dma source(%dma_start3A_353 : memref<128x200xi32, #tpu.memory_space<hbm>>) target(%arg5 : memref<128x200xi32, #tpu.memory_space<vmem>>) target_semaphore(%run_scoped3A : memref<!tpu.dma_semaphore, #tpu.memory_space<semaphore_mem>>)
      %dma_wait3A_354 = arith.constant 0 : i32
      %dma_wait3A_355 = tpu.memref_slice %arg2[%multiple_of3A, %dma_wait3A_354] : memref<4096x200xi32, #tpu.memory_space<hbm>> -> memref<128x200xi32, #tpu.memory_space<hbm>>
      %dma_wait3A_356 = arith.constant 0 : i32
      %dma_wait3A_357 = tpu.memref_slice %arg2[%multiple_of3A, %dma_wait3A_356] : memref<4096x200xi32, #tpu.memory_space<hbm>> -> memref<128x200xi32, #tpu.memory_space<hbm>>
      tpu.wait_dma2 semaphore(%run_scoped3A : memref<!tpu.dma_semaphore, #tpu.memory_space<semaphore_mem>>) src(%dma_wait3A_357 : memref<128x200xi32, #tpu.memory_space<hbm>>) dst(%arg5 : memref<128x200xi32, #tpu.memory_space<vmem>>)
      tpu.yield
    }) : () -> ()
    %dma_start3A = arith.constant 0 : i32
    %dma_start3A_3 = arith.constant 0 : i32
    %dma_start3A_4 = arith.constant 0 : i32
    %dma_start3A_5 = arith.constant 0 : i32
    %dma_start3A_6 = tpu.memref_slice %arg6[%dma_start3A_3, %dma_start3A_4, %dma_start3A_5] : memref<4x200x64xf32, #tpu.memory_space<vmem>> -> memref<1x128x64xf32, #tpu.memory_space<vmem>>
    %dma_start3A_7 = tpu.memref_squeeze %dma_start3A_6 : memref<1x128x64xf32, #tpu.memory_space<vmem>> -> memref<128x64xf32, #tpu.memory_space<vmem>>
    %dma_start3A_8 = arith.constant 0 : i32
    %dma_start3A_9 = tpu.memref_slice %arg5[%dma_start3A, %dma_start3A_8] : memref<128x200xi32, #tpu.memory_space<vmem>> -> memref<1x128xi32, #tpu.memory_space<vmem>>
    %dma_start3A_10 = tpu.memref_squeeze %dma_start3A_9 : memref<1x128xi32, #tpu.memory_space<vmem>> -> memref<128xi32, #tpu.memory_space<vmem>>
    %dma_start3A_11 = arith.constant 0 : i32
    %dma_start3A_12 = arith.constant 0 : i32
    %dma_start3A_13 = tpu.memref_slice %arg3[%dma_start3A_11, %dma_start3A_12] : memref<1000000x64xf32, #tpu.memory_space<hbm>> -> memref<1000000x64xf32, #tpu.memory_space<hbm>>
    tpu.enqueue_indirect_dma source(%dma_start3A_13 : memref<1000000x64xf32, #tpu.memory_space<hbm>>) target(%dma_start3A_7 : memref<128x64xf32, #tpu.memory_space<vmem>>) offsets(%dma_start3A_10 : memref<128xi32, #tpu.memory_space<vmem>>) semaphore(%arg7 : memref<!tpu.dma_semaphore, #tpu.memory_space<semaphore_mem>>)
    %dma_start3A_14 = arith.constant 0 : i32
    %dma_start3A_15 = arith.constant 0 : i32
    %dma_start3A_16 = arith.constant 128 : i32
    %dma_start3A_17 = arith.constant 0 : i32
    %dma_start3A_18 = tpu.memref_slice %arg6[%dma_start3A_15, %dma_start3A_16, %dma_start3A_17] : memref<4x200x64xf32, #tpu.memory_space<vmem>> -> memref<1x72x64xf32, #tpu.memory_space<vmem>>
    %dma_start3A_19 = tpu.memref_squeeze %dma_start3A_18 : memref<1x72x64xf32, #tpu.memory_space<vmem>> -> memref<72x64xf32, #tpu.memory_space<vmem>>
    %dma_start3A_20 = arith.constant 128 : i32
    %dma_start3A_21 = tpu.memref_slice %arg5[%dma_start3A_14, %dma_start3A_20] : memref<128x200xi32, #tpu.memory_space<vmem>> -> memref<1x72xi32, #tpu.memory_space<vmem>>
    %dma_start3A_22 = tpu.memref_squeeze %dma_start3A_21 : memref<1x72xi32, #tpu.memory_space<vmem>> -> memref<72xi32, #tpu.memory_space<vmem>>
    %dma_start3A_23 = arith.constant 0 : i32
    %dma_start3A_24 = arith.constant 0 : i32
    %dma_start3A_25 = tpu.memref_slice %arg3[%dma_start3A_23, %dma_start3A_24] : memref<1000000x64xf32, #tpu.memory_space<hbm>> -> memref<1000000x64xf32, #tpu.memory_space<hbm>>
    tpu.enqueue_indirect_dma source(%dma_start3A_25 : memref<1000000x64xf32, #tpu.memory_space<hbm>>) target(%dma_start3A_19 : memref<72x64xf32, #tpu.memory_space<vmem>>) offsets(%dma_start3A_22 : memref<72xi32, #tpu.memory_space<vmem>>) semaphore(%arg11 : memref<!tpu.dma_semaphore, #tpu.memory_space<semaphore_mem>>)
    %dma_start3A_26 = arith.constant 1 : i32
    %dma_start3A_27 = arith.constant 1 : i32
    %dma_start3A_28 = arith.constant 0 : i32
    %dma_start3A_29 = arith.constant 0 : i32
    %dma_start3A_30 = tpu.memref_slice %arg6[%dma_start3A_27, %dma_start3A_28, %dma_start3A_29] : memref<4x200x64xf32, #tpu.memory_space<vmem>> -> memref<1x128x64xf32, #tpu.memory_space<vmem>>
    %dma_start3A_31 = tpu.memref_squeeze %dma_start3A_30 : memref<1x128x64xf32, #tpu.memory_space<vmem>> -> memref<128x64xf32, #tpu.memory_space<vmem>>
    %dma_start3A_32 = arith.constant 0 : i32
    %dma_start3A_33 = tpu.memref_slice %arg5[%dma_start3A_26, %dma_start3A_32] : memref<128x200xi32, #tpu.memory_space<vmem>> -> memref<1x128xi32, #tpu.memory_space<vmem>>
    %dma_start3A_34 = tpu.memref_squeeze %dma_start3A_33 : memref<1x128xi32, #tpu.memory_space<vmem>> -> memref<128xi32, #tpu.memory_space<vmem>>
    %dma_start3A_35 = arith.constant 0 : i32
    %dma_start3A_36 = arith.constant 0 : i32
    %dma_start3A_37 = tpu.memref_slice %arg3[%dma_start3A_35, %dma_start3A_36] : memref<1000000x64xf32, #tpu.memory_space<hbm>> -> memref<1000000x64xf32, #tpu.memory_space<hbm>>
    tpu.enqueue_indirect_dma source(%dma_start3A_37 : memref<1000000x64xf32, #tpu.memory_space<hbm>>) target(%dma_start3A_31 : memref<128x64xf32, #tpu.memory_space<vmem>>) offsets(%dma_start3A_34 : memref<128xi32, #tpu.memory_space<vmem>>) semaphore(%arg8 : memref<!tpu.dma_semaphore, #tpu.memory_space<semaphore_mem>>)
    %dma_start3A_38 = arith.constant 1 : i32
    %dma_start3A_39 = arith.constant 1 : i32
    %dma_start3A_40 = arith.constant 128 : i32
    %dma_start3A_41 = arith.constant 0 : i32
    %dma_start3A_42 = tpu.memref_slice %arg6[%dma_start3A_39, %dma_start3A_40, %dma_start3A_41] : memref<4x200x64xf32, #tpu.memory_space<vmem>> -> memref<1x72x64xf32, #tpu.memory_space<vmem>>
    %dma_start3A_43 = tpu.memref_squeeze %dma_start3A_42 : memref<1x72x64xf32, #tpu.memory_space<vmem>> -> memref<72x64xf32, #tpu.memory_space<vmem>>
    %dma_start3A_44 = arith.constant 128 : i32
    %dma_start3A_45 = tpu.memref_slice %arg5[%dma_start3A_38, %dma_start3A_44] : memref<128x200xi32, #tpu.memory_space<vmem>> -> memref<1x72xi32, #tpu.memory_space<vmem>>
    %dma_start3A_46 = tpu.memref_squeeze %dma_start3A_45 : memref<1x72xi32, #tpu.memory_space<vmem>> -> memref<72xi32, #tpu.memory_space<vmem>>
    %dma_start3A_47 = arith.constant 0 : i32
    %dma_start3A_48 = arith.constant 0 : i32
    %dma_start3A_49 = tpu.memref_slice %arg3[%dma_start3A_47, %dma_start3A_48] : memref<1000000x64xf32, #tpu.memory_space<hbm>> -> memref<1000000x64xf32, #tpu.memory_space<hbm>>
    tpu.enqueue_indirect_dma source(%dma_start3A_49 : memref<1000000x64xf32, #tpu.memory_space<hbm>>) target(%dma_start3A_43 : memref<72x64xf32, #tpu.memory_space<vmem>>) offsets(%dma_start3A_46 : memref<72xi32, #tpu.memory_space<vmem>>) semaphore(%arg12 : memref<!tpu.dma_semaphore, #tpu.memory_space<semaphore_mem>>)
    %dma_start3A_50 = arith.constant 2 : i32
    %dma_start3A_51 = arith.constant 2 : i32
    %dma_start3A_52 = arith.constant 0 : i32
    %dma_start3A_53 = arith.constant 0 : i32
    %dma_start3A_54 = tpu.memref_slice %arg6[%dma_start3A_51, %dma_start3A_52, %dma_start3A_53] : memref<4x200x64xf32, #tpu.memory_space<vmem>> -> memref<1x128x64xf32, #tpu.memory_space<vmem>>
    %dma_start3A_55 = tpu.memref_squeeze %dma_start3A_54 : memref<1x128x64xf32, #tpu.memory_space<vmem>> -> memref<128x64xf32, #tpu.memory_space<vmem>>
    %dma_start3A_56 = arith.constant 0 : i32
    %dma_start3A_57 = tpu.memref_slice %arg5[%dma_start3A_50, %dma_start3A_56] : memref<128x200xi32, #tpu.memory_space<vmem>> -> memref<1x128xi32, #tpu.memory_space<vmem>>
    %dma_start3A_58 = tpu.memref_squeeze %dma_start3A_57 : memref<1x128xi32, #tpu.memory_space<vmem>> -> memref<128xi32, #tpu.memory_space<vmem>>
    %dma_start3A_59 = arith.constant 0 : i32
    %dma_start3A_60 = arith.constant 0 : i32
    %dma_start3A_61 = tpu.memref_slice %arg3[%dma_start3A_59, %dma_start3A_60] : memref<1000000x64xf32, #tpu.memory_space<hbm>> -> memref<1000000x64xf32, #tpu.memory_space<hbm>>
    tpu.enqueue_indirect_dma source(%dma_start3A_61 : memref<1000000x64xf32, #tpu.memory_space<hbm>>) target(%dma_start3A_55 : memref<128x64xf32, #tpu.memory_space<vmem>>) offsets(%dma_start3A_58 : memref<128xi32, #tpu.memory_space<vmem>>) semaphore(%arg9 : memref<!tpu.dma_semaphore, #tpu.memory_space<semaphore_mem>>)
    %dma_start3A_62 = arith.constant 2 : i32
    %dma_start3A_63 = arith.constant 2 : i32
    %dma_start3A_64 = arith.constant 128 : i32
    %dma_start3A_65 = arith.constant 0 : i32
    %dma_start3A_66 = tpu.memref_slice %arg6[%dma_start3A_63, %dma_start3A_64, %dma_start3A_65] : memref<4x200x64xf32, #tpu.memory_space<vmem>> -> memref<1x72x64xf32, #tpu.memory_space<vmem>>
    %dma_start3A_67 = tpu.memref_squeeze %dma_start3A_66 : memref<1x72x64xf32, #tpu.memory_space<vmem>> -> memref<72x64xf32, #tpu.memory_space<vmem>>
    %dma_start3A_68 = arith.constant 128 : i32
    %dma_start3A_69 = tpu.memref_slice %arg5[%dma_start3A_62, %dma_start3A_68] : memref<128x200xi32, #tpu.memory_space<vmem>> -> memref<1x72xi32, #tpu.memory_space<vmem>>
    %dma_start3A_70 = tpu.memref_squeeze %dma_start3A_69 : memref<1x72xi32, #tpu.memory_space<vmem>> -> memref<72xi32, #tpu.memory_space<vmem>>
    %dma_start3A_71 = arith.constant 0 : i32
    %dma_start3A_72 = arith.constant 0 : i32
    %dma_start3A_73 = tpu.memref_slice %arg3[%dma_start3A_71, %dma_start3A_72] : memref<1000000x64xf32, #tpu.memory_space<hbm>> -> memref<1000000x64xf32, #tpu.memory_space<hbm>>
    tpu.enqueue_indirect_dma source(%dma_start3A_73 : memref<1000000x64xf32, #tpu.memory_space<hbm>>) target(%dma_start3A_67 : memref<72x64xf32, #tpu.memory_space<vmem>>) offsets(%dma_start3A_70 : memref<72xi32, #tpu.memory_space<vmem>>) semaphore(%arg13 : memref<!tpu.dma_semaphore, #tpu.memory_space<semaphore_mem>>)
    %dma_start3A_74 = arith.constant 3 : i32
    %dma_start3A_75 = arith.constant 3 : i32
    %dma_start3A_76 = arith.constant 0 : i32
    %dma_start3A_77 = arith.constant 0 : i32
    %dma_start3A_78 = tpu.memref_slice %arg6[%dma_start3A_75, %dma_start3A_76, %dma_start3A_77] : memref<4x200x64xf32, #tpu.memory_space<vmem>> -> memref<1x128x64xf32, #tpu.memory_space<vmem>>
    %dma_start3A_79 = tpu.memref_squeeze %dma_start3A_78 : memref<1x128x64xf32, #tpu.memory_space<vmem>> -> memref<128x64xf32, #tpu.memory_space<vmem>>
    %dma_start3A_80 = arith.constant 0 : i32
    %dma_start3A_81 = tpu.memref_slice %arg5[%dma_start3A_74, %dma_start3A_80] : memref<128x200xi32, #tpu.memory_space<vmem>> -> memref<1x128xi32, #tpu.memory_space<vmem>>
    %dma_start3A_82 = tpu.memref_squeeze %dma_start3A_81 : memref<1x128xi32, #tpu.memory_space<vmem>> -> memref<128xi32, #tpu.memory_space<vmem>>
    %dma_start3A_83 = arith.constant 0 : i32
    %dma_start3A_84 = arith.constant 0 : i32
    %dma_start3A_85 = tpu.memref_slice %arg3[%dma_start3A_83, %dma_start3A_84] : memref<1000000x64xf32, #tpu.memory_space<hbm>> -> memref<1000000x64xf32, #tpu.memory_space<hbm>>
    tpu.enqueue_indirect_dma source(%dma_start3A_85 : memref<1000000x64xf32, #tpu.memory_space<hbm>>) target(%dma_start3A_79 : memref<128x64xf32, #tpu.memory_space<vmem>>) offsets(%dma_start3A_82 : memref<128xi32, #tpu.memory_space<vmem>>) semaphore(%arg10 : memref<!tpu.dma_semaphore, #tpu.memory_space<semaphore_mem>>)
    %dma_start3A_86 = arith.constant 3 : i32
    %dma_start3A_87 = arith.constant 3 : i32
    %dma_start3A_88 = arith.constant 128 : i32
    %dma_start3A_89 = arith.constant 0 : i32
    %dma_start3A_90 = tpu.memref_slice %arg6[%dma_start3A_87, %dma_start3A_88, %dma_start3A_89] : memref<4x200x64xf32, #tpu.memory_space<vmem>> -> memref<1x72x64xf32, #tpu.memory_space<vmem>>
    %dma_start3A_91 = tpu.memref_squeeze %dma_start3A_90 : memref<1x72x64xf32, #tpu.memory_space<vmem>> -> memref<72x64xf32, #tpu.memory_space<vmem>>
    %dma_start3A_92 = arith.constant 128 : i32
    %dma_start3A_93 = tpu.memref_slice %arg5[%dma_start3A_86, %dma_start3A_92] : memref<128x200xi32, #tpu.memory_space<vmem>> -> memref<1x72xi32, #tpu.memory_space<vmem>>
    %dma_start3A_94 = tpu.memref_squeeze %dma_start3A_93 : memref<1x72xi32, #tpu.memory_space<vmem>> -> memref<72xi32, #tpu.memory_space<vmem>>
    %dma_start3A_95 = arith.constant 0 : i32
    %dma_start3A_96 = arith.constant 0 : i32
    %dma_start3A_97 = tpu.memref_slice %arg3[%dma_start3A_95, %dma_start3A_96] : memref<1000000x64xf32, #tpu.memory_space<hbm>> -> memref<1000000x64xf32, #tpu.memory_space<hbm>>
    tpu.enqueue_indirect_dma source(%dma_start3A_97 : memref<1000000x64xf32, #tpu.memory_space<hbm>>) target(%dma_start3A_91 : memref<72x64xf32, #tpu.memory_space<vmem>>) offsets(%dma_start3A_94 : memref<72xi32, #tpu.memory_space<vmem>>) semaphore(%arg14 : memref<!tpu.dma_semaphore, #tpu.memory_space<semaphore_mem>>)
    %scan3A = arith.constant 0 : i32
    %scan3A_98 = arith.constant 0 : i32
    %scan3A_99 = arith.constant 31 : i32
    %scan3A_100 = arith.addi %scan3A_98, %scan3A_99 : i32
    %scan3A_101 = arith.constant 1 : i32
    scf.for %scan3A_350 = %scan3A_98 to %scan3A_100 step %scan3A_101  : i32 {
      %mul3A_351 = arith.constant 4 : i32
      %mul3A_352 = arith.muli %scan3A_350, %mul3A_351 : i32
      %add3A_353 = arith.constant 0 : i32
      %add3A_354 = arith.addi %mul3A_352, %add3A_353 : i32
      %dma_wait3A_355 = arith.constant 0 : i32
      %dma_wait3A_356 = arith.constant 0 : i32
      %dma_wait3A_357 = arith.constant 0 : i32
      %dma_wait3A_358 = tpu.memref_slice %arg6[%dma_wait3A_355, %dma_wait3A_356, %dma_wait3A_357] : memref<4x200x64xf32, #tpu.memory_space<vmem>> -> memref<1x128x64xf32, #tpu.memory_space<vmem>>
      %dma_wait3A_359 = tpu.memref_squeeze %dma_wait3A_358 : memref<1x128x64xf32, #tpu.memory_space<vmem>> -> memref<128x64xf32, #tpu.memory_space<vmem>>
      %dma_wait3A_360 = arith.constant 0 : i32
      %dma_wait3A_361 = tpu.memref_slice %arg5[%add3A_354, %dma_wait3A_360] : memref<128x200xi32, #tpu.memory_space<vmem>> -> memref<1x128xi32, #tpu.memory_space<vmem>>
      %dma_wait3A_362 = tpu.memref_squeeze %dma_wait3A_361 : memref<1x128xi32, #tpu.memory_space<vmem>> -> memref<128xi32, #tpu.memory_space<vmem>>
      %dma_wait3A_363 = arith.constant 0 : i32
      %dma_wait3A_364 = arith.constant 0 : i32
      %dma_wait3A_365 = tpu.memref_slice %arg3[%dma_wait3A_363, %dma_wait3A_364] : memref<1000000x64xf32, #tpu.memory_space<hbm>> -> memref<1000000x64xf32, #tpu.memory_space<hbm>>
      tpu.wait_indirect_dma semaphore(%arg7 : memref<!tpu.dma_semaphore, #tpu.memory_space<semaphore_mem>>) src(%dma_wait3A_365 : memref<1000000x64xf32, #tpu.memory_space<hbm>>) dst(%dma_wait3A_359 : memref<128x64xf32, #tpu.memory_space<vmem>>)
      %dma_wait3A_366 = arith.constant 0 : i32
      %dma_wait3A_367 = arith.constant 128 : i32
      %dma_wait3A_368 = arith.constant 0 : i32
      %dma_wait3A_369 = tpu.memref_slice %arg6[%dma_wait3A_366, %dma_wait3A_367, %dma_wait3A_368] : memref<4x200x64xf32, #tpu.memory_space<vmem>> -> memref<1x72x64xf32, #tpu.memory_space<vmem>>
      %dma_wait3A_370 = tpu.memref_squeeze %dma_wait3A_369 : memref<1x72x64xf32, #tpu.memory_space<vmem>> -> memref<72x64xf32, #tpu.memory_space<vmem>>
      %dma_wait3A_371 = arith.constant 128 : i32
      %dma_wait3A_372 = tpu.memref_slice %arg5[%add3A_354, %dma_wait3A_371] : memref<128x200xi32, #tpu.memory_space<vmem>> -> memref<1x72xi32, #tpu.memory_space<vmem>>
      %dma_wait3A_373 = tpu.memref_squeeze %dma_wait3A_372 : memref<1x72xi32, #tpu.memory_space<vmem>> -> memref<72xi32, #tpu.memory_space<vmem>>
      %dma_wait3A_374 = arith.constant 0 : i32
      %dma_wait3A_375 = arith.constant 0 : i32
      %dma_wait3A_376 = tpu.memref_slice %arg3[%dma_wait3A_374, %dma_wait3A_375] : memref<1000000x64xf32, #tpu.memory_space<hbm>> -> memref<1000000x64xf32, #tpu.memory_space<hbm>>
      tpu.wait_indirect_dma semaphore(%arg11 : memref<!tpu.dma_semaphore, #tpu.memory_space<semaphore_mem>>) src(%dma_wait3A_376 : memref<1000000x64xf32, #tpu.memory_space<hbm>>) dst(%dma_wait3A_370 : memref<72x64xf32, #tpu.memory_space<vmem>>)
      %add3A_377 = arith.addi %mul3A_2, %add3A_354 : i32
      %dma_start3A_378 = arith.constant 0 : i32
      %dma_start3A_379 = arith.constant 0 : i32
      %dma_start3A_380 = arith.constant 0 : i32
      %dma_start3A_381 = tpu.memref_slice %arg6[%dma_start3A_378, %dma_start3A_379, %dma_start3A_380] : memref<4x200x64xf32, #tpu.memory_space<vmem>> -> memref<1x200x64xf32, #tpu.memory_space<vmem>>
      %dma_start3A_382 = tpu.memref_squeeze %dma_start3A_381 : memref<1x200x64xf32, #tpu.memory_space<vmem>> -> memref<200x64xf32, #tpu.memory_space<vmem>>
      %dma_start3A_383 = arith.constant 0 : i32
      %dma_start3A_384 = arith.constant 0 : i32
      %dma_start3A_385 = tpu.memref_slice %arg4[%add3A_377, %dma_start3A_383, %dma_start3A_384] : memref<4096x200x64xf32, #tpu.memory_space<hbm>> -> memref<1x200x64xf32, #tpu.memory_space<hbm>>
      %dma_start3A_386 = tpu.memref_squeeze %dma_start3A_385 : memref<1x200x64xf32, #tpu.memory_space<hbm>> -> memref<200x64xf32, #tpu.memory_space<hbm>>
      %dma_start3A_387 = arith.constant 0 : i32
      %dma_start3A_388 = arith.constant 0 : i32
      %dma_start3A_389 = tpu.memref_slice %arg4[%add3A_377, %dma_start3A_387, %dma_start3A_388] : memref<4096x200x64xf32, #tpu.memory_space<hbm>> -> memref<1x200x64xf32, #tpu.memory_space<hbm>>
      %dma_start3A_390 = tpu.memref_squeeze %dma_start3A_389 : memref<1x200x64xf32, #tpu.memory_space<hbm>> -> memref<200x64xf32, #tpu.memory_space<hbm>>
      %dma_start3A_391 = arith.constant 0 : i32
      %dma_start3A_392 = arith.constant 0 : i32
      %dma_start3A_393 = tpu.memref_slice %arg6[%dma_start3A_378, %dma_start3A_391, %dma_start3A_392] : memref<4x200x64xf32, #tpu.memory_space<vmem>> -> memref<1x200x64xf32, #tpu.memory_space<vmem>>
      %dma_start3A_394 = tpu.memref_squeeze %dma_start3A_393 : memref<1x200x64xf32, #tpu.memory_space<vmem>> -> memref<200x64xf32, #tpu.memory_space<vmem>>
      tpu.enqueue_dma source(%dma_start3A_394 : memref<200x64xf32, #tpu.memory_space<vmem>>) target(%dma_start3A_390 : memref<200x64xf32, #tpu.memory_space<hbm>>) target_semaphore(%arg15 : memref<!tpu.dma_semaphore, #tpu.memory_space<semaphore_mem>>)
      %mul3A_395 = arith.constant 4 : i32
      %mul3A_396 = arith.muli %scan3A_350, %mul3A_395 : i32
      %add3A_397 = arith.constant 1 : i32
      %add3A_398 = arith.addi %mul3A_396, %add3A_397 : i32
      %dma_wait3A_399 = arith.constant 1 : i32
      %dma_wait3A_400 = arith.constant 0 : i32
      %dma_wait3A_401 = arith.constant 0 : i32
      %dma_wait3A_402 = tpu.memref_slice %arg6[%dma_wait3A_399, %dma_wait3A_400, %dma_wait3A_401] : memref<4x200x64xf32, #tpu.memory_space<vmem>> -> memref<1x128x64xf32, #tpu.memory_space<vmem>>
      %dma_wait3A_403 = tpu.memref_squeeze %dma_wait3A_402 : memref<1x128x64xf32, #tpu.memory_space<vmem>> -> memref<128x64xf32, #tpu.memory_space<vmem>>
      %dma_wait3A_404 = arith.constant 0 : i32
      %dma_wait3A_405 = tpu.memref_slice %arg5[%add3A_398, %dma_wait3A_404] : memref<128x200xi32, #tpu.memory_space<vmem>> -> memref<1x128xi32, #tpu.memory_space<vmem>>
      %dma_wait3A_406 = tpu.memref_squeeze %dma_wait3A_405 : memref<1x128xi32, #tpu.memory_space<vmem>> -> memref<128xi32, #tpu.memory_space<vmem>>
      %dma_wait3A_407 = arith.constant 0 : i32
      %dma_wait3A_408 = arith.constant 0 : i32
      %dma_wait3A_409 = tpu.memref_slice %arg3[%dma_wait3A_407, %dma_wait3A_408] : memref<1000000x64xf32, #tpu.memory_space<hbm>> -> memref<1000000x64xf32, #tpu.memory_space<hbm>>
      tpu.wait_indirect_dma semaphore(%arg8 : memref<!tpu.dma_semaphore, #tpu.memory_space<semaphore_mem>>) src(%dma_wait3A_409 : memref<1000000x64xf32, #tpu.memory_space<hbm>>) dst(%dma_wait3A_403 : memref<128x64xf32, #tpu.memory_space<vmem>>)
      %dma_wait3A_410 = arith.constant 1 : i32
      %dma_wait3A_411 = arith.constant 128 : i32
      %dma_wait3A_412 = arith.constant 0 : i32
      %dma_wait3A_413 = tpu.memref_slice %arg6[%dma_wait3A_410, %dma_wait3A_411, %dma_wait3A_412] : memref<4x200x64xf32, #tpu.memory_space<vmem>> -> memref<1x72x64xf32, #tpu.memory_space<vmem>>
      %dma_wait3A_414 = tpu.memref_squeeze %dma_wait3A_413 : memref<1x72x64xf32, #tpu.memory_space<vmem>> -> memref<72x64xf32, #tpu.memory_space<vmem>>
      %dma_wait3A_415 = arith.constant 128 : i32
      %dma_wait3A_416 = tpu.memref_slice %arg5[%add3A_398, %dma_wait3A_415] : memref<128x200xi32, #tpu.memory_space<vmem>> -> memref<1x72xi32, #tpu.memory_space<vmem>>
      %dma_wait3A_417 = tpu.memref_squeeze %dma_wait3A_416 : memref<1x72xi32, #tpu.memory_space<vmem>> -> memref<72xi32, #tpu.memory_space<vmem>>
      %dma_wait3A_418 = arith.constant 0 : i32
      %dma_wait3A_419 = arith.constant 0 : i32
      %dma_wait3A_420 = tpu.memref_slice %arg3[%dma_wait3A_418, %dma_wait3A_419] : memref<1000000x64xf32, #tpu.memory_space<hbm>> -> memref<1000000x64xf32, #tpu.memory_space<hbm>>
      tpu.wait_indirect_dma semaphore(%arg12 : memref<!tpu.dma_semaphore, #tpu.memory_space<semaphore_mem>>) src(%dma_wait3A_420 : memref<1000000x64xf32, #tpu.memory_space<hbm>>) dst(%dma_wait3A_414 : memref<72x64xf32, #tpu.memory_space<vmem>>)
      %add3A_421 = arith.addi %mul3A_2, %add3A_398 : i32
      %dma_start3A_422 = arith.constant 1 : i32
      %dma_start3A_423 = arith.constant 0 : i32
      %dma_start3A_424 = arith.constant 0 : i32
      %dma_start3A_425 = tpu.memref_slice %arg6[%dma_start3A_422, %dma_start3A_423, %dma_start3A_424] : memref<4x200x64xf32, #tpu.memory_space<vmem>> -> memref<1x200x64xf32, #tpu.memory_space<vmem>>
      %dma_start3A_426 = tpu.memref_squeeze %dma_start3A_425 : memref<1x200x64xf32, #tpu.memory_space<vmem>> -> memref<200x64xf32, #tpu.memory_space<vmem>>
      %dma_start3A_427 = arith.constant 0 : i32
      %dma_start3A_428 = arith.constant 0 : i32
      %dma_start3A_429 = tpu.memref_slice %arg4[%add3A_421, %dma_start3A_427, %dma_start3A_428] : memref<4096x200x64xf32, #tpu.memory_space<hbm>> -> memref<1x200x64xf32, #tpu.memory_space<hbm>>
      %dma_start3A_430 = tpu.memref_squeeze %dma_start3A_429 : memref<1x200x64xf32, #tpu.memory_space<hbm>> -> memref<200x64xf32, #tpu.memory_space<hbm>>
      %dma_start3A_431 = arith.constant 0 : i32
      %dma_start3A_432 = arith.constant 0 : i32
      %dma_start3A_433 = tpu.memref_slice %arg4[%add3A_421, %dma_start3A_431, %dma_start3A_432] : memref<4096x200x64xf32, #tpu.memory_space<hbm>> -> memref<1x200x64xf32, #tpu.memory_space<hbm>>
      %dma_start3A_434 = tpu.memref_squeeze %dma_start3A_433 : memref<1x200x64xf32, #tpu.memory_space<hbm>> -> memref<200x64xf32, #tpu.memory_space<hbm>>
      %dma_start3A_435 = arith.constant 0 : i32
      %dma_start3A_436 = arith.constant 0 : i32
      %dma_start3A_437 = tpu.memref_slice %arg6[%dma_start3A_422, %dma_start3A_435, %dma_start3A_436] : memref<4x200x64xf32, #tpu.memory_space<vmem>> -> memref<1x200x64xf32, #tpu.memory_space<vmem>>
      %dma_start3A_438 = tpu.memref_squeeze %dma_start3A_437 : memref<1x200x64xf32, #tpu.memory_space<vmem>> -> memref<200x64xf32, #tpu.memory_space<vmem>>
      tpu.enqueue_dma source(%dma_start3A_438 : memref<200x64xf32, #tpu.memory_space<vmem>>) target(%dma_start3A_434 : memref<200x64xf32, #tpu.memory_space<hbm>>) target_semaphore(%arg16 : memref<!tpu.dma_semaphore, #tpu.memory_space<semaphore_mem>>)
      %mul3A_439 = arith.constant 4 : i32
      %mul3A_440 = arith.muli %scan3A_350, %mul3A_439 : i32
      %add3A_441 = arith.constant 2 : i32
      %add3A_442 = arith.addi %mul3A_440, %add3A_441 : i32
      %dma_wait3A_443 = arith.constant 2 : i32
      %dma_wait3A_444 = arith.constant 0 : i32
      %dma_wait3A_445 = arith.constant 0 : i32
      %dma_wait3A_446 = tpu.memref_slice %arg6[%dma_wait3A_443, %dma_wait3A_444, %dma_wait3A_445] : memref<4x200x64xf32, #tpu.memory_space<vmem>> -> memref<1x128x64xf32, #tpu.memory_space<vmem>>
      %dma_wait3A_447 = tpu.memref_squeeze %dma_wait3A_446 : memref<1x128x64xf32, #tpu.memory_space<vmem>> -> memref<128x64xf32, #tpu.memory_space<vmem>>
      %dma_wait3A_448 = arith.constant 0 : i32
      %dma_wait3A_449 = tpu.memref_slice %arg5[%add3A_442, %dma_wait3A_448] : memref<128x200xi32, #tpu.memory_space<vmem>> -> memref<1x128xi32, #tpu.memory_space<vmem>>
      %dma_wait3A_450 = tpu.memref_squeeze %dma_wait3A_449 : memref<1x128xi32, #tpu.memory_space<vmem>> -> memref<128xi32, #tpu.memory_space<vmem>>
      %dma_wait3A_451 = arith.constant 0 : i32
      %dma_wait3A_452 = arith.constant 0 : i32
      %dma_wait3A_453 = tpu.memref_slice %arg3[%dma_wait3A_451, %dma_wait3A_452] : memref<1000000x64xf32, #tpu.memory_space<hbm>> -> memref<1000000x64xf32, #tpu.memory_space<hbm>>
      tpu.wait_indirect_dma semaphore(%arg9 : memref<!tpu.dma_semaphore, #tpu.memory_space<semaphore_mem>>) src(%dma_wait3A_453 : memref<1000000x64xf32, #tpu.memory_space<hbm>>) dst(%dma_wait3A_447 : memref<128x64xf32, #tpu.memory_space<vmem>>)
      %dma_wait3A_454 = arith.constant 2 : i32
      %dma_wait3A_455 = arith.constant 128 : i32
      %dma_wait3A_456 = arith.constant 0 : i32
      %dma_wait3A_457 = tpu.memref_slice %arg6[%dma_wait3A_454, %dma_wait3A_455, %dma_wait3A_456] : memref<4x200x64xf32, #tpu.memory_space<vmem>> -> memref<1x72x64xf32, #tpu.memory_space<vmem>>
      %dma_wait3A_458 = tpu.memref_squeeze %dma_wait3A_457 : memref<1x72x64xf32, #tpu.memory_space<vmem>> -> memref<72x64xf32, #tpu.memory_space<vmem>>
      %dma_wait3A_459 = arith.constant 128 : i32
      %dma_wait3A_460 = tpu.memref_slice %arg5[%add3A_442, %dma_wait3A_459] : memref<128x200xi32, #tpu.memory_space<vmem>> -> memref<1x72xi32, #tpu.memory_space<vmem>>
      %dma_wait3A_461 = tpu.memref_squeeze %dma_wait3A_460 : memref<1x72xi32, #tpu.memory_space<vmem>> -> memref<72xi32, #tpu.memory_space<vmem>>
      %dma_wait3A_462 = arith.constant 0 : i32
      %dma_wait3A_463 = arith.constant 0 : i32
      %dma_wait3A_464 = tpu.memref_slice %arg3[%dma_wait3A_462, %dma_wait3A_463] : memref<1000000x64xf32, #tpu.memory_space<hbm>> -> memref<1000000x64xf32, #tpu.memory_space<hbm>>
      tpu.wait_indirect_dma semaphore(%arg13 : memref<!tpu.dma_semaphore, #tpu.memory_space<semaphore_mem>>) src(%dma_wait3A_464 : memref<1000000x64xf32, #tpu.memory_space<hbm>>) dst(%dma_wait3A_458 : memref<72x64xf32, #tpu.memory_space<vmem>>)
      %add3A_465 = arith.addi %mul3A_2, %add3A_442 : i32
      %dma_start3A_466 = arith.constant 2 : i32
      %dma_start3A_467 = arith.constant 0 : i32
      %dma_start3A_468 = arith.constant 0 : i32
      %dma_start3A_469 = tpu.memref_slice %arg6[%dma_start3A_466, %dma_start3A_467, %dma_start3A_468] : memref<4x200x64xf32, #tpu.memory_space<vmem>> -> memref<1x200x64xf32, #tpu.memory_space<vmem>>
      %dma_start3A_470 = tpu.memref_squeeze %dma_start3A_469 : memref<1x200x64xf32, #tpu.memory_space<vmem>> -> memref<200x64xf32, #tpu.memory_space<vmem>>
      %dma_start3A_471 = arith.constant 0 : i32
      %dma_start3A_472 = arith.constant 0 : i32
      %dma_start3A_473 = tpu.memref_slice %arg4[%add3A_465, %dma_start3A_471, %dma_start3A_472] : memref<4096x200x64xf32, #tpu.memory_space<hbm>> -> memref<1x200x64xf32, #tpu.memory_space<hbm>>
      %dma_start3A_474 = tpu.memref_squeeze %dma_start3A_473 : memref<1x200x64xf32, #tpu.memory_space<hbm>> -> memref<200x64xf32, #tpu.memory_space<hbm>>
      %dma_start3A_475 = arith.constant 0 : i32
      %dma_start3A_476 = arith.constant 0 : i32
      %dma_start3A_477 = tpu.memref_slice %arg4[%add3A_465, %dma_start3A_475, %dma_start3A_476] : memref<4096x200x64xf32, #tpu.memory_space<hbm>> -> memref<1x200x64xf32, #tpu.memory_space<hbm>>
      %dma_start3A_478 = tpu.memref_squeeze %dma_start3A_477 : memref<1x200x64xf32, #tpu.memory_space<hbm>> -> memref<200x64xf32, #tpu.memory_space<hbm>>
      %dma_start3A_479 = arith.constant 0 : i32
      %dma_start3A_480 = arith.constant 0 : i32
      %dma_start3A_481 = tpu.memref_slice %arg6[%dma_start3A_466, %dma_start3A_479, %dma_start3A_480] : memref<4x200x64xf32, #tpu.memory_space<vmem>> -> memref<1x200x64xf32, #tpu.memory_space<vmem>>
      %dma_start3A_482 = tpu.memref_squeeze %dma_start3A_481 : memref<1x200x64xf32, #tpu.memory_space<vmem>> -> memref<200x64xf32, #tpu.memory_space<vmem>>
      tpu.enqueue_dma source(%dma_start3A_482 : memref<200x64xf32, #tpu.memory_space<vmem>>) target(%dma_start3A_478 : memref<200x64xf32, #tpu.memory_space<hbm>>) target_semaphore(%arg17 : memref<!tpu.dma_semaphore, #tpu.memory_space<semaphore_mem>>)
      %mul3A_483 = arith.constant 4 : i32
      %mul3A_484 = arith.muli %scan3A_350, %mul3A_483 : i32
      %add3A_485 = arith.constant 3 : i32
      %add3A_486 = arith.addi %mul3A_484, %add3A_485 : i32
      %dma_wait3A_487 = arith.constant 3 : i32
      %dma_wait3A_488 = arith.constant 0 : i32
      %dma_wait3A_489 = arith.constant 0 : i32
      %dma_wait3A_490 = tpu.memref_slice %arg6[%dma_wait3A_487, %dma_wait3A_488, %dma_wait3A_489] : memref<4x200x64xf32, #tpu.memory_space<vmem>> -> memref<1x128x64xf32, #tpu.memory_space<vmem>>
      %dma_wait3A_491 = tpu.memref_squeeze %dma_wait3A_490 : memref<1x128x64xf32, #tpu.memory_space<vmem>> -> memref<128x64xf32, #tpu.memory_space<vmem>>
      %dma_wait3A_492 = arith.constant 0 : i32
      %dma_wait3A_493 = tpu.memref_slice %arg5[%add3A_486, %dma_wait3A_492] : memref<128x200xi32, #tpu.memory_space<vmem>> -> memref<1x128xi32, #tpu.memory_space<vmem>>
      %dma_wait3A_494 = tpu.memref_squeeze %dma_wait3A_493 : memref<1x128xi32, #tpu.memory_space<vmem>> -> memref<128xi32, #tpu.memory_space<vmem>>
      %dma_wait3A_495 = arith.constant 0 : i32
      %dma_wait3A_496 = arith.constant 0 : i32
      %dma_wait3A_497 = tpu.memref_slice %arg3[%dma_wait3A_495, %dma_wait3A_496] : memref<1000000x64xf32, #tpu.memory_space<hbm>> -> memref<1000000x64xf32, #tpu.memory_space<hbm>>
      tpu.wait_indirect_dma semaphore(%arg10 : memref<!tpu.dma_semaphore, #tpu.memory_space<semaphore_mem>>) src(%dma_wait3A_497 : memref<1000000x64xf32, #tpu.memory_space<hbm>>) dst(%dma_wait3A_491 : memref<128x64xf32, #tpu.memory_space<vmem>>)
      %dma_wait3A_498 = arith.constant 3 : i32
      %dma_wait3A_499 = arith.constant 128 : i32
      %dma_wait3A_500 = arith.constant 0 : i32
      %dma_wait3A_501 = tpu.memref_slice %arg6[%dma_wait3A_498, %dma_wait3A_499, %dma_wait3A_500] : memref<4x200x64xf32, #tpu.memory_space<vmem>> -> memref<1x72x64xf32, #tpu.memory_space<vmem>>
      %dma_wait3A_502 = tpu.memref_squeeze %dma_wait3A_501 : memref<1x72x64xf32, #tpu.memory_space<vmem>> -> memref<72x64xf32, #tpu.memory_space<vmem>>
      %dma_wait3A_503 = arith.constant 128 : i32
      %dma_wait3A_504 = tpu.memref_slice %arg5[%add3A_486, %dma_wait3A_503] : memref<128x200xi32, #tpu.memory_space<vmem>> -> memref<1x72xi32, #tpu.memory_space<vmem>>
      %dma_wait3A_505 = tpu.memref_squeeze %dma_wait3A_504 : memref<1x72xi32, #tpu.memory_space<vmem>> -> memref<72xi32, #tpu.memory_space<vmem>>
      %dma_wait3A_506 = arith.constant 0 : i32
      %dma_wait3A_507 = arith.constant 0 : i32
      %dma_wait3A_508 = tpu.memref_slice %arg3[%dma_wait3A_506, %dma_wait3A_507] : memref<1000000x64xf32, #tpu.memory_space<hbm>> -> memref<1000000x64xf32, #tpu.memory_space<hbm>>
      tpu.wait_indirect_dma semaphore(%arg14 : memref<!tpu.dma_semaphore, #tpu.memory_space<semaphore_mem>>) src(%dma_wait3A_508 : memref<1000000x64xf32, #tpu.memory_space<hbm>>) dst(%dma_wait3A_502 : memref<72x64xf32, #tpu.memory_space<vmem>>)
      %add3A_509 = arith.addi %mul3A_2, %add3A_486 : i32
      %dma_start3A_510 = arith.constant 3 : i32
      %dma_start3A_511 = arith.constant 0 : i32
      %dma_start3A_512 = arith.constant 0 : i32
      %dma_start3A_513 = tpu.memref_slice %arg6[%dma_start3A_510, %dma_start3A_511, %dma_start3A_512] : memref<4x200x64xf32, #tpu.memory_space<vmem>> -> memref<1x200x64xf32, #tpu.memory_space<vmem>>
      %dma_start3A_514 = tpu.memref_squeeze %dma_start3A_513 : memref<1x200x64xf32, #tpu.memory_space<vmem>> -> memref<200x64xf32, #tpu.memory_space<vmem>>
      %dma_start3A_515 = arith.constant 0 : i32
      %dma_start3A_516 = arith.constant 0 : i32
      %dma_start3A_517 = tpu.memref_slice %arg4[%add3A_509, %dma_start3A_515, %dma_start3A_516] : memref<4096x200x64xf32, #tpu.memory_space<hbm>> -> memref<1x200x64xf32, #tpu.memory_space<hbm>>
      %dma_start3A_518 = tpu.memref_squeeze %dma_start3A_517 : memref<1x200x64xf32, #tpu.memory_space<hbm>> -> memref<200x64xf32, #tpu.memory_space<hbm>>
      %dma_start3A_519 = arith.constant 0 : i32
      %dma_start3A_520 = arith.constant 0 : i32
      %dma_start3A_521 = tpu.memref_slice %arg4[%add3A_509, %dma_start3A_519, %dma_start3A_520] : memref<4096x200x64xf32, #tpu.memory_space<hbm>> -> memref<1x200x64xf32, #tpu.memory_space<hbm>>
      %dma_start3A_522 = tpu.memref_squeeze %dma_start3A_521 : memref<1x200x64xf32, #tpu.memory_space<hbm>> -> memref<200x64xf32, #tpu.memory_space<hbm>>
      %dma_start3A_523 = arith.constant 0 : i32
      %dma_start3A_524 = arith.constant 0 : i32
      %dma_start3A_525 = tpu.memref_slice %arg6[%dma_start3A_510, %dma_start3A_523, %dma_start3A_524] : memref<4x200x64xf32, #tpu.memory_space<vmem>> -> memref<1x200x64xf32, #tpu.memory_space<vmem>>
      %dma_start3A_526 = tpu.memref_squeeze %dma_start3A_525 : memref<1x200x64xf32, #tpu.memory_space<vmem>> -> memref<200x64xf32, #tpu.memory_space<vmem>>
      tpu.enqueue_dma source(%dma_start3A_526 : memref<200x64xf32, #tpu.memory_space<vmem>>) target(%dma_start3A_522 : memref<200x64xf32, #tpu.memory_space<hbm>>) target_semaphore(%arg18 : memref<!tpu.dma_semaphore, #tpu.memory_space<semaphore_mem>>)
      %mul3A_527 = arith.constant 4 : i32
      %mul3A_528 = arith.muli %scan3A_350, %mul3A_527 : i32
      %add3A_529 = arith.constant 0 : i32
      %add3A_530 = arith.addi %mul3A_528, %add3A_529 : i32
      %add3A_531 = arith.addi %mul3A_2, %add3A_530 : i32
      %dma_wait3A_532 = arith.constant 0 : i32
      %dma_wait3A_533 = arith.constant 0 : i32
      %dma_wait3A_534 = arith.constant 0 : i32
      %dma_wait3A_535 = tpu.memref_slice %arg6[%dma_wait3A_532, %dma_wait3A_533, %dma_wait3A_534] : memref<4x200x64xf32, #tpu.memory_space<vmem>> -> memref<1x200x64xf32, #tpu.memory_space<vmem>>
      %dma_wait3A_536 = tpu.memref_squeeze %dma_wait3A_535 : memref<1x200x64xf32, #tpu.memory_space<vmem>> -> memref<200x64xf32, #tpu.memory_space<vmem>>
      %dma_wait3A_537 = arith.constant 0 : i32
      %dma_wait3A_538 = arith.constant 0 : i32
      %dma_wait3A_539 = tpu.memref_slice %arg4[%add3A_531, %dma_wait3A_537, %dma_wait3A_538] : memref<4096x200x64xf32, #tpu.memory_space<hbm>> -> memref<1x200x64xf32, #tpu.memory_space<hbm>>
      %dma_wait3A_540 = tpu.memref_squeeze %dma_wait3A_539 : memref<1x200x64xf32, #tpu.memory_space<hbm>> -> memref<200x64xf32, #tpu.memory_space<hbm>>
      %dma_wait3A_541 = arith.constant 0 : i32
      %dma_wait3A_542 = arith.constant 0 : i32
      %dma_wait3A_543 = tpu.memref_slice %arg4[%add3A_531, %dma_wait3A_541, %dma_wait3A_542] : memref<4096x200x64xf32, #tpu.memory_space<hbm>> -> memref<1x200x64xf32, #tpu.memory_space<hbm>>
      %dma_wait3A_544 = tpu.memref_squeeze %dma_wait3A_543 : memref<1x200x64xf32, #tpu.memory_space<hbm>> -> memref<200x64xf32, #tpu.memory_space<hbm>>
      %dma_wait3A_545 = arith.constant 0 : i32
      %dma_wait3A_546 = arith.constant 0 : i32
      %dma_wait3A_547 = tpu.memref_slice %arg6[%dma_wait3A_532, %dma_wait3A_545, %dma_wait3A_546] : memref<4x200x64xf32, #tpu.memory_space<vmem>> -> memref<1x200x64xf32, #tpu.memory_space<vmem>>
      %dma_wait3A_548 = tpu.memref_squeeze %dma_wait3A_547 : memref<1x200x64xf32, #tpu.memory_space<vmem>> -> memref<200x64xf32, #tpu.memory_space<vmem>>
      tpu.wait_dma2 semaphore(%arg15 : memref<!tpu.dma_semaphore, #tpu.memory_space<semaphore_mem>>) src(%dma_wait3A_548 : memref<200x64xf32, #tpu.memory_space<vmem>>) dst(%dma_wait3A_544 : memref<200x64xf32, #tpu.memory_space<hbm>>)
      %add3A_549 = arith.constant 4 : i32
      %add3A_550 = arith.addi %add3A_530, %add3A_549 : i32
      %dma_start3A_551 = arith.constant 0 : i32
      %dma_start3A_552 = arith.constant 0 : i32
      %dma_start3A_553 = arith.constant 0 : i32
      %dma_start3A_554 = tpu.memref_slice %arg6[%dma_start3A_551, %dma_start3A_552, %dma_start3A_553] : memref<4x200x64xf32, #tpu.memory_space<vmem>> -> memref<1x128x64xf32, #tpu.memory_space<vmem>>
      %dma_start3A_555 = tpu.memref_squeeze %dma_start3A_554 : memref<1x128x64xf32, #tpu.memory_space<vmem>> -> memref<128x64xf32, #tpu.memory_space<vmem>>
      %dma_start3A_556 = arith.constant 0 : i32
      %dma_start3A_557 = tpu.memref_slice %arg5[%add3A_550, %dma_start3A_556] : memref<128x200xi32, #tpu.memory_space<vmem>> -> memref<1x128xi32, #tpu.memory_space<vmem>>
      %dma_start3A_558 = tpu.memref_squeeze %dma_start3A_557 : memref<1x128xi32, #tpu.memory_space<vmem>> -> memref<128xi32, #tpu.memory_space<vmem>>
      %dma_start3A_559 = arith.constant 0 : i32
      %dma_start3A_560 = arith.constant 0 : i32
      %dma_start3A_561 = tpu.memref_slice %arg3[%dma_start3A_559, %dma_start3A_560] : memref<1000000x64xf32, #tpu.memory_space<hbm>> -> memref<1000000x64xf32, #tpu.memory_space<hbm>>
      tpu.enqueue_indirect_dma source(%dma_start3A_561 : memref<1000000x64xf32, #tpu.memory_space<hbm>>) target(%dma_start3A_555 : memref<128x64xf32, #tpu.memory_space<vmem>>) offsets(%dma_start3A_558 : memref<128xi32, #tpu.memory_space<vmem>>) semaphore(%arg7 : memref<!tpu.dma_semaphore, #tpu.memory_space<semaphore_mem>>)
      %dma_start3A_562 = arith.constant 0 : i32
      %dma_start3A_563 = arith.constant 128 : i32
      %dma_start3A_564 = arith.constant 0 : i32
      %dma_start3A_565 = tpu.memref_slice %arg6[%dma_start3A_562, %dma_start3A_563, %dma_start3A_564] : memref<4x200x64xf32, #tpu.memory_space<vmem>> -> memref<1x72x64xf32, #tpu.memory_space<vmem>>
      %dma_start3A_566 = tpu.memref_squeeze %dma_start3A_565 : memref<1x72x64xf32, #tpu.memory_space<vmem>> -> memref<72x64xf32, #tpu.memory_space<vmem>>
      %dma_start3A_567 = arith.constant 128 : i32
      %dma_start3A_568 = tpu.memref_slice %arg5[%add3A_550, %dma_start3A_567] : memref<128x200xi32, #tpu.memory_space<vmem>> -> memref<1x72xi32, #tpu.memory_space<vmem>>
      %dma_start3A_569 = tpu.memref_squeeze %dma_start3A_568 : memref<1x72xi32, #tpu.memory_space<vmem>> -> memref<72xi32, #tpu.memory_space<vmem>>
      %dma_start3A_570 = arith.constant 0 : i32
      %dma_start3A_571 = arith.constant 0 : i32
      %dma_start3A_572 = tpu.memref_slice %arg3[%dma_start3A_570, %dma_start3A_571] : memref<1000000x64xf32, #tpu.memory_space<hbm>> -> memref<1000000x64xf32, #tpu.memory_space<hbm>>
      tpu.enqueue_indirect_dma source(%dma_start3A_572 : memref<1000000x64xf32, #tpu.memory_space<hbm>>) target(%dma_start3A_566 : memref<72x64xf32, #tpu.memory_space<vmem>>) offsets(%dma_start3A_569 : memref<72xi32, #tpu.memory_space<vmem>>) semaphore(%arg11 : memref<!tpu.dma_semaphore, #tpu.memory_space<semaphore_mem>>)
      %mul3A_573 = arith.constant 4 : i32
      %mul3A_574 = arith.muli %scan3A_350, %mul3A_573 : i32
      %add3A_575 = arith.constant 1 : i32
      %add3A_576 = arith.addi %mul3A_574, %add3A_575 : i32
      %add3A_577 = arith.addi %mul3A_2, %add3A_576 : i32
      %dma_wait3A_578 = arith.constant 1 : i32
      %dma_wait3A_579 = arith.constant 0 : i32
      %dma_wait3A_580 = arith.constant 0 : i32
      %dma_wait3A_581 = tpu.memref_slice %arg6[%dma_wait3A_578, %dma_wait3A_579, %dma_wait3A_580] : memref<4x200x64xf32, #tpu.memory_space<vmem>> -> memref<1x200x64xf32, #tpu.memory_space<vmem>>
      %dma_wait3A_582 = tpu.memref_squeeze %dma_wait3A_581 : memref<1x200x64xf32, #tpu.memory_space<vmem>> -> memref<200x64xf32, #tpu.memory_space<vmem>>
      %dma_wait3A_583 = arith.constant 0 : i32
      %dma_wait3A_584 = arith.constant 0 : i32
      %dma_wait3A_585 = tpu.memref_slice %arg4[%add3A_577, %dma_wait3A_583, %dma_wait3A_584] : memref<4096x200x64xf32, #tpu.memory_space<hbm>> -> memref<1x200x64xf32, #tpu.memory_space<hbm>>
      %dma_wait3A_586 = tpu.memref_squeeze %dma_wait3A_585 : memref<1x200x64xf32, #tpu.memory_space<hbm>> -> memref<200x64xf32, #tpu.memory_space<hbm>>
      %dma_wait3A_587 = arith.constant 0 : i32
      %dma_wait3A_588 = arith.constant 0 : i32
      %dma_wait3A_589 = tpu.memref_slice %arg4[%add3A_577, %dma_wait3A_587, %dma_wait3A_588] : memref<4096x200x64xf32, #tpu.memory_space<hbm>> -> memref<1x200x64xf32, #tpu.memory_space<hbm>>
      %dma_wait3A_590 = tpu.memref_squeeze %dma_wait3A_589 : memref<1x200x64xf32, #tpu.memory_space<hbm>> -> memref<200x64xf32, #tpu.memory_space<hbm>>
      %dma_wait3A_591 = arith.constant 0 : i32
      %dma_wait3A_592 = arith.constant 0 : i32
      %dma_wait3A_593 = tpu.memref_slice %arg6[%dma_wait3A_578, %dma_wait3A_591, %dma_wait3A_592] : memref<4x200x64xf32, #tpu.memory_space<vmem>> -> memref<1x200x64xf32, #tpu.memory_space<vmem>>
      %dma_wait3A_594 = tpu.memref_squeeze %dma_wait3A_593 : memref<1x200x64xf32, #tpu.memory_space<vmem>> -> memref<200x64xf32, #tpu.memory_space<vmem>>
      tpu.wait_dma2 semaphore(%arg16 : memref<!tpu.dma_semaphore, #tpu.memory_space<semaphore_mem>>) src(%dma_wait3A_594 : memref<200x64xf32, #tpu.memory_space<vmem>>) dst(%dma_wait3A_590 : memref<200x64xf32, #tpu.memory_space<hbm>>)
      %add3A_595 = arith.constant 4 : i32
      %add3A_596 = arith.addi %add3A_576, %add3A_595 : i32
      %dma_start3A_597 = arith.constant 1 : i32
      %dma_start3A_598 = arith.constant 0 : i32
      %dma_start3A_599 = arith.constant 0 : i32
      %dma_start3A_600 = tpu.memref_slice %arg6[%dma_start3A_597, %dma_start3A_598, %dma_start3A_599] : memref<4x200x64xf32, #tpu.memory_space<vmem>> -> memref<1x128x64xf32, #tpu.memory_space<vmem>>
      %dma_start3A_601 = tpu.memref_squeeze %dma_start3A_600 : memref<1x128x64xf32, #tpu.memory_space<vmem>> -> memref<128x64xf32, #tpu.memory_space<vmem>>
      %dma_start3A_602 = arith.constant 0 : i32
      %dma_start3A_603 = tpu.memref_slice %arg5[%add3A_596, %dma_start3A_602] : memref<128x200xi32, #tpu.memory_space<vmem>> -> memref<1x128xi32, #tpu.memory_space<vmem>>
      %dma_start3A_604 = tpu.memref_squeeze %dma_start3A_603 : memref<1x128xi32, #tpu.memory_space<vmem>> -> memref<128xi32, #tpu.memory_space<vmem>>
      %dma_start3A_605 = arith.constant 0 : i32
      %dma_start3A_606 = arith.constant 0 : i32
      %dma_start3A_607 = tpu.memref_slice %arg3[%dma_start3A_605, %dma_start3A_606] : memref<1000000x64xf32, #tpu.memory_space<hbm>> -> memref<1000000x64xf32, #tpu.memory_space<hbm>>
      tpu.enqueue_indirect_dma source(%dma_start3A_607 : memref<1000000x64xf32, #tpu.memory_space<hbm>>) target(%dma_start3A_601 : memref<128x64xf32, #tpu.memory_space<vmem>>) offsets(%dma_start3A_604 : memref<128xi32, #tpu.memory_space<vmem>>) semaphore(%arg8 : memref<!tpu.dma_semaphore, #tpu.memory_space<semaphore_mem>>)
      %dma_start3A_608 = arith.constant 1 : i32
      %dma_start3A_609 = arith.constant 128 : i32
      %dma_start3A_610 = arith.constant 0 : i32
      %dma_start3A_611 = tpu.memref_slice %arg6[%dma_start3A_608, %dma_start3A_609, %dma_start3A_610] : memref<4x200x64xf32, #tpu.memory_space<vmem>> -> memref<1x72x64xf32, #tpu.memory_space<vmem>>
      %dma_start3A_612 = tpu.memref_squeeze %dma_start3A_611 : memref<1x72x64xf32, #tpu.memory_space<vmem>> -> memref<72x64xf32, #tpu.memory_space<vmem>>
      %dma_start3A_613 = arith.constant 128 : i32
      %dma_start3A_614 = tpu.memref_slice %arg5[%add3A_596, %dma_start3A_613] : memref<128x200xi32, #tpu.memory_space<vmem>> -> memref<1x72xi32, #tpu.memory_space<vmem>>
      %dma_start3A_615 = tpu.memref_squeeze %dma_start3A_614 : memref<1x72xi32, #tpu.memory_space<vmem>> -> memref<72xi32, #tpu.memory_space<vmem>>
      %dma_start3A_616 = arith.constant 0 : i32
      %dma_start3A_617 = arith.constant 0 : i32
      %dma_start3A_618 = tpu.memref_slice %arg3[%dma_start3A_616, %dma_start3A_617] : memref<1000000x64xf32, #tpu.memory_space<hbm>> -> memref<1000000x64xf32, #tpu.memory_space<hbm>>
      tpu.enqueue_indirect_dma source(%dma_start3A_618 : memref<1000000x64xf32, #tpu.memory_space<hbm>>) target(%dma_start3A_612 : memref<72x64xf32, #tpu.memory_space<vmem>>) offsets(%dma_start3A_615 : memref<72xi32, #tpu.memory_space<vmem>>) semaphore(%arg12 : memref<!tpu.dma_semaphore, #tpu.memory_space<semaphore_mem>>)
      %mul3A_619 = arith.constant 4 : i32
      %mul3A_620 = arith.muli %scan3A_350, %mul3A_619 : i32
      %add3A_621 = arith.constant 2 : i32
      %add3A_622 = arith.addi %mul3A_620, %add3A_621 : i32
      %add3A_623 = arith.addi %mul3A_2, %add3A_622 : i32
      %dma_wait3A_624 = arith.constant 2 : i32
      %dma_wait3A_625 = arith.constant 0 : i32
      %dma_wait3A_626 = arith.constant 0 : i32
      %dma_wait3A_627 = tpu.memref_slice %arg6[%dma_wait3A_624, %dma_wait3A_625, %dma_wait3A_626] : memref<4x200x64xf32, #tpu.memory_space<vmem>> -> memref<1x200x64xf32, #tpu.memory_space<vmem>>
      %dma_wait3A_628 = tpu.memref_squeeze %dma_wait3A_627 : memref<1x200x64xf32, #tpu.memory_space<vmem>> -> memref<200x64xf32, #tpu.memory_space<vmem>>
      %dma_wait3A_629 = arith.constant 0 : i32
      %dma_wait3A_630 = arith.constant 0 : i32
      %dma_wait3A_631 = tpu.memref_slice %arg4[%add3A_623, %dma_wait3A_629, %dma_wait3A_630] : memref<4096x200x64xf32, #tpu.memory_space<hbm>> -> memref<1x200x64xf32, #tpu.memory_space<hbm>>
      %dma_wait3A_632 = tpu.memref_squeeze %dma_wait3A_631 : memref<1x200x64xf32, #tpu.memory_space<hbm>> -> memref<200x64xf32, #tpu.memory_space<hbm>>
      %dma_wait3A_633 = arith.constant 0 : i32
      %dma_wait3A_634 = arith.constant 0 : i32
      %dma_wait3A_635 = tpu.memref_slice %arg4[%add3A_623, %dma_wait3A_633, %dma_wait3A_634] : memref<4096x200x64xf32, #tpu.memory_space<hbm>> -> memref<1x200x64xf32, #tpu.memory_space<hbm>>
      %dma_wait3A_636 = tpu.memref_squeeze %dma_wait3A_635 : memref<1x200x64xf32, #tpu.memory_space<hbm>> -> memref<200x64xf32, #tpu.memory_space<hbm>>
      %dma_wait3A_637 = arith.constant 0 : i32
      %dma_wait3A_638 = arith.constant 0 : i32
      %dma_wait3A_639 = tpu.memref_slice %arg6[%dma_wait3A_624, %dma_wait3A_637, %dma_wait3A_638] : memref<4x200x64xf32, #tpu.memory_space<vmem>> -> memref<1x200x64xf32, #tpu.memory_space<vmem>>
      %dma_wait3A_640 = tpu.memref_squeeze %dma_wait3A_639 : memref<1x200x64xf32, #tpu.memory_space<vmem>> -> memref<200x64xf32, #tpu.memory_space<vmem>>
      tpu.wait_dma2 semaphore(%arg17 : memref<!tpu.dma_semaphore, #tpu.memory_space<semaphore_mem>>) src(%dma_wait3A_640 : memref<200x64xf32, #tpu.memory_space<vmem>>) dst(%dma_wait3A_636 : memref<200x64xf32, #tpu.memory_space<hbm>>)
      %add3A_641 = arith.constant 4 : i32
      %add3A_642 = arith.addi %add3A_622, %add3A_641 : i32
      %dma_start3A_643 = arith.constant 2 : i32
      %dma_start3A_644 = arith.constant 0 : i32
      %dma_start3A_645 = arith.constant 0 : i32
      %dma_start3A_646 = tpu.memref_slice %arg6[%dma_start3A_643, %dma_start3A_644, %dma_start3A_645] : memref<4x200x64xf32, #tpu.memory_space<vmem>> -> memref<1x128x64xf32, #tpu.memory_space<vmem>>
      %dma_start3A_647 = tpu.memref_squeeze %dma_start3A_646 : memref<1x128x64xf32, #tpu.memory_space<vmem>> -> memref<128x64xf32, #tpu.memory_space<vmem>>
      %dma_start3A_648 = arith.constant 0 : i32
      %dma_start3A_649 = tpu.memref_slice %arg5[%add3A_642, %dma_start3A_648] : memref<128x200xi32, #tpu.memory_space<vmem>> -> memref<1x128xi32, #tpu.memory_space<vmem>>
      %dma_start3A_650 = tpu.memref_squeeze %dma_start3A_649 : memref<1x128xi32, #tpu.memory_space<vmem>> -> memref<128xi32, #tpu.memory_space<vmem>>
      %dma_start3A_651 = arith.constant 0 : i32
      %dma_start3A_652 = arith.constant 0 : i32
      %dma_start3A_653 = tpu.memref_slice %arg3[%dma_start3A_651, %dma_start3A_652] : memref<1000000x64xf32, #tpu.memory_space<hbm>> -> memref<1000000x64xf32, #tpu.memory_space<hbm>>
      tpu.enqueue_indirect_dma source(%dma_start3A_653 : memref<1000000x64xf32, #tpu.memory_space<hbm>>) target(%dma_start3A_647 : memref<128x64xf32, #tpu.memory_space<vmem>>) offsets(%dma_start3A_650 : memref<128xi32, #tpu.memory_space<vmem>>) semaphore(%arg9 : memref<!tpu.dma_semaphore, #tpu.memory_space<semaphore_mem>>)
      %dma_start3A_654 = arith.constant 2 : i32
      %dma_start3A_655 = arith.constant 128 : i32
      %dma_start3A_656 = arith.constant 0 : i32
      %dma_start3A_657 = tpu.memref_slice %arg6[%dma_start3A_654, %dma_start3A_655, %dma_start3A_656] : memref<4x200x64xf32, #tpu.memory_space<vmem>> -> memref<1x72x64xf32, #tpu.memory_space<vmem>>
      %dma_start3A_658 = tpu.memref_squeeze %dma_start3A_657 : memref<1x72x64xf32, #tpu.memory_space<vmem>> -> memref<72x64xf32, #tpu.memory_space<vmem>>
      %dma_start3A_659 = arith.constant 128 : i32
      %dma_start3A_660 = tpu.memref_slice %arg5[%add3A_642, %dma_start3A_659] : memref<128x200xi32, #tpu.memory_space<vmem>> -> memref<1x72xi32, #tpu.memory_space<vmem>>
      %dma_start3A_661 = tpu.memref_squeeze %dma_start3A_660 : memref<1x72xi32, #tpu.memory_space<vmem>> -> memref<72xi32, #tpu.memory_space<vmem>>
      %dma_start3A_662 = arith.constant 0 : i32
      %dma_start3A_663 = arith.constant 0 : i32
      %dma_start3A_664 = tpu.memref_slice %arg3[%dma_start3A_662, %dma_start3A_663] : memref<1000000x64xf32, #tpu.memory_space<hbm>> -> memref<1000000x64xf32, #tpu.memory_space<hbm>>
      tpu.enqueue_indirect_dma source(%dma_start3A_664 : memref<1000000x64xf32, #tpu.memory_space<hbm>>) target(%dma_start3A_658 : memref<72x64xf32, #tpu.memory_space<vmem>>) offsets(%dma_start3A_661 : memref<72xi32, #tpu.memory_space<vmem>>) semaphore(%arg13 : memref<!tpu.dma_semaphore, #tpu.memory_space<semaphore_mem>>)
      %mul3A_665 = arith.constant 4 : i32
      %mul3A_666 = arith.muli %scan3A_350, %mul3A_665 : i32
      %add3A_667 = arith.constant 3 : i32
      %add3A_668 = arith.addi %mul3A_666, %add3A_667 : i32
      %add3A_669 = arith.addi %mul3A_2, %add3A_668 : i32
      %dma_wait3A_670 = arith.constant 3 : i32
      %dma_wait3A_671 = arith.constant 0 : i32
      %dma_wait3A_672 = arith.constant 0 : i32
      %dma_wait3A_673 = tpu.memref_slice %arg6[%dma_wait3A_670, %dma_wait3A_671, %dma_wait3A_672] : memref<4x200x64xf32, #tpu.memory_space<vmem>> -> memref<1x200x64xf32, #tpu.memory_space<vmem>>
      %dma_wait3A_674 = tpu.memref_squeeze %dma_wait3A_673 : memref<1x200x64xf32, #tpu.memory_space<vmem>> -> memref<200x64xf32, #tpu.memory_space<vmem>>
      %dma_wait3A_675 = arith.constant 0 : i32
      %dma_wait3A_676 = arith.constant 0 : i32
      %dma_wait3A_677 = tpu.memref_slice %arg4[%add3A_669, %dma_wait3A_675, %dma_wait3A_676] : memref<4096x200x64xf32, #tpu.memory_space<hbm>> -> memref<1x200x64xf32, #tpu.memory_space<hbm>>
      %dma_wait3A_678 = tpu.memref_squeeze %dma_wait3A_677 : memref<1x200x64xf32, #tpu.memory_space<hbm>> -> memref<200x64xf32, #tpu.memory_space<hbm>>
      %dma_wait3A_679 = arith.constant 0 : i32
      %dma_wait3A_680 = arith.constant 0 : i32
      %dma_wait3A_681 = tpu.memref_slice %arg4[%add3A_669, %dma_wait3A_679, %dma_wait3A_680] : memref<4096x200x64xf32, #tpu.memory_space<hbm>> -> memref<1x200x64xf32, #tpu.memory_space<hbm>>
      %dma_wait3A_682 = tpu.memref_squeeze %dma_wait3A_681 : memref<1x200x64xf32, #tpu.memory_space<hbm>> -> memref<200x64xf32, #tpu.memory_space<hbm>>
      %dma_wait3A_683 = arith.constant 0 : i32
      %dma_wait3A_684 = arith.constant 0 : i32
      %dma_wait3A_685 = tpu.memref_slice %arg6[%dma_wait3A_670, %dma_wait3A_683, %dma_wait3A_684] : memref<4x200x64xf32, #tpu.memory_space<vmem>> -> memref<1x200x64xf32, #tpu.memory_space<vmem>>
      %dma_wait3A_686 = tpu.memref_squeeze %dma_wait3A_685 : memref<1x200x64xf32, #tpu.memory_space<vmem>> -> memref<200x64xf32, #tpu.memory_space<vmem>>
      tpu.wait_dma2 semaphore(%arg18 : memref<!tpu.dma_semaphore, #tpu.memory_space<semaphore_mem>>) src(%dma_wait3A_686 : memref<200x64xf32, #tpu.memory_space<vmem>>) dst(%dma_wait3A_682 : memref<200x64xf32, #tpu.memory_space<hbm>>)
      %add3A_687 = arith.constant 4 : i32
      %add3A_688 = arith.addi %add3A_668, %add3A_687 : i32
      %dma_start3A_689 = arith.constant 3 : i32
      %dma_start3A_690 = arith.constant 0 : i32
      %dma_start3A_691 = arith.constant 0 : i32
      %dma_start3A_692 = tpu.memref_slice %arg6[%dma_start3A_689, %dma_start3A_690, %dma_start3A_691] : memref<4x200x64xf32, #tpu.memory_space<vmem>> -> memref<1x128x64xf32, #tpu.memory_space<vmem>>
      %dma_start3A_693 = tpu.memref_squeeze %dma_start3A_692 : memref<1x128x64xf32, #tpu.memory_space<vmem>> -> memref<128x64xf32, #tpu.memory_space<vmem>>
      %dma_start3A_694 = arith.constant 0 : i32
      %dma_start3A_695 = tpu.memref_slice %arg5[%add3A_688, %dma_start3A_694] : memref<128x200xi32, #tpu.memory_space<vmem>> -> memref<1x128xi32, #tpu.memory_space<vmem>>
      %dma_start3A_696 = tpu.memref_squeeze %dma_start3A_695 : memref<1x128xi32, #tpu.memory_space<vmem>> -> memref<128xi32, #tpu.memory_space<vmem>>
      %dma_start3A_697 = arith.constant 0 : i32
      %dma_start3A_698 = arith.constant 0 : i32
      %dma_start3A_699 = tpu.memref_slice %arg3[%dma_start3A_697, %dma_start3A_698] : memref<1000000x64xf32, #tpu.memory_space<hbm>> -> memref<1000000x64xf32, #tpu.memory_space<hbm>>
      tpu.enqueue_indirect_dma source(%dma_start3A_699 : memref<1000000x64xf32, #tpu.memory_space<hbm>>) target(%dma_start3A_693 : memref<128x64xf32, #tpu.memory_space<vmem>>) offsets(%dma_start3A_696 : memref<128xi32, #tpu.memory_space<vmem>>) semaphore(%arg10 : memref<!tpu.dma_semaphore, #tpu.memory_space<semaphore_mem>>)
      %dma_start3A_700 = arith.constant 3 : i32
      %dma_start3A_701 = arith.constant 128 : i32
      %dma_start3A_702 = arith.constant 0 : i32
      %dma_start3A_703 = tpu.memref_slice %arg6[%dma_start3A_700, %dma_start3A_701, %dma_start3A_702] : memref<4x200x64xf32, #tpu.memory_space<vmem>> -> memref<1x72x64xf32, #tpu.memory_space<vmem>>
      %dma_start3A_704 = tpu.memref_squeeze %dma_start3A_703 : memref<1x72x64xf32, #tpu.memory_space<vmem>> -> memref<72x64xf32, #tpu.memory_space<vmem>>
      %dma_start3A_705 = arith.constant 128 : i32
      %dma_start3A_706 = tpu.memref_slice %arg5[%add3A_688, %dma_start3A_705] : memref<128x200xi32, #tpu.memory_space<vmem>> -> memref<1x72xi32, #tpu.memory_space<vmem>>
      %dma_start3A_707 = tpu.memref_squeeze %dma_start3A_706 : memref<1x72xi32, #tpu.memory_space<vmem>> -> memref<72xi32, #tpu.memory_space<vmem>>
      %dma_start3A_708 = arith.constant 0 : i32
      %dma_start3A_709 = arith.constant 0 : i32
      %dma_start3A_710 = tpu.memref_slice %arg3[%dma_start3A_708, %dma_start3A_709] : memref<1000000x64xf32, #tpu.memory_space<hbm>> -> memref<1000000x64xf32, #tpu.memory_space<hbm>>
      tpu.enqueue_indirect_dma source(%dma_start3A_710 : memref<1000000x64xf32, #tpu.memory_space<hbm>>) target(%dma_start3A_704 : memref<72x64xf32, #tpu.memory_space<vmem>>) offsets(%dma_start3A_707 : memref<72xi32, #tpu.memory_space<vmem>>) semaphore(%arg14 : memref<!tpu.dma_semaphore, #tpu.memory_space<semaphore_mem>>)
    }
    %scan3A_102 = arith.constant 31 : i32
    %dma_wait3A = arith.constant 124 : i32
    %dma_wait3A_103 = arith.constant 0 : i32
    %dma_wait3A_104 = arith.constant 0 : i32
    %dma_wait3A_105 = arith.constant 0 : i32
    %dma_wait3A_106 = tpu.memref_slice %arg6[%dma_wait3A_103, %dma_wait3A_104, %dma_wait3A_105] : memref<4x200x64xf32, #tpu.memory_space<vmem>> -> memref<1x128x64xf32, #tpu.memory_space<vmem>>
    %dma_wait3A_107 = tpu.memref_squeeze %dma_wait3A_106 : memref<1x128x64xf32, #tpu.memory_space<vmem>> -> memref<128x64xf32, #tpu.memory_space<vmem>>
    %dma_wait3A_108 = arith.constant 0 : i32
    %dma_wait3A_109 = tpu.memref_slice %arg5[%dma_wait3A, %dma_wait3A_108] : memref<128x200xi32, #tpu.memory_space<vmem>> -> memref<1x128xi32, #tpu.memory_space<vmem>>
    %dma_wait3A_110 = tpu.memref_squeeze %dma_wait3A_109 : memref<1x128xi32, #tpu.memory_space<vmem>> -> memref<128xi32, #tpu.memory_space<vmem>>
    %dma_wait3A_111 = arith.constant 0 : i32
    %dma_wait3A_112 = arith.constant 0 : i32
    %dma_wait3A_113 = tpu.memref_slice %arg3[%dma_wait3A_111, %dma_wait3A_112] : memref<1000000x64xf32, #tpu.memory_space<hbm>> -> memref<1000000x64xf32, #tpu.memory_space<hbm>>
    tpu.wait_indirect_dma semaphore(%arg7 : memref<!tpu.dma_semaphore, #tpu.memory_space<semaphore_mem>>) src(%dma_wait3A_113 : memref<1000000x64xf32, #tpu.memory_space<hbm>>) dst(%dma_wait3A_107 : memref<128x64xf32, #tpu.memory_space<vmem>>)
    %dma_wait3A_114 = arith.constant 124 : i32
    %dma_wait3A_115 = arith.constant 0 : i32
    %dma_wait3A_116 = arith.constant 128 : i32
    %dma_wait3A_117 = arith.constant 0 : i32
    %dma_wait3A_118 = tpu.memref_slice %arg6[%dma_wait3A_115, %dma_wait3A_116, %dma_wait3A_117] : memref<4x200x64xf32, #tpu.memory_space<vmem>> -> memref<1x72x64xf32, #tpu.memory_space<vmem>>
    %dma_wait3A_119 = tpu.memref_squeeze %dma_wait3A_118 : memref<1x72x64xf32, #tpu.memory_space<vmem>> -> memref<72x64xf32, #tpu.memory_space<vmem>>
    %dma_wait3A_120 = arith.constant 128 : i32
    %dma_wait3A_121 = tpu.memref_slice %arg5[%dma_wait3A_114, %dma_wait3A_120] : memref<128x200xi32, #tpu.memory_space<vmem>> -> memref<1x72xi32, #tpu.memory_space<vmem>>
    %dma_wait3A_122 = tpu.memref_squeeze %dma_wait3A_121 : memref<1x72xi32, #tpu.memory_space<vmem>> -> memref<72xi32, #tpu.memory_space<vmem>>
    %dma_wait3A_123 = arith.constant 0 : i32
    %dma_wait3A_124 = arith.constant 0 : i32
    %dma_wait3A_125 = tpu.memref_slice %arg3[%dma_wait3A_123, %dma_wait3A_124] : memref<1000000x64xf32, #tpu.memory_space<hbm>> -> memref<1000000x64xf32, #tpu.memory_space<hbm>>
    tpu.wait_indirect_dma semaphore(%arg11 : memref<!tpu.dma_semaphore, #tpu.memory_space<semaphore_mem>>) src(%dma_wait3A_125 : memref<1000000x64xf32, #tpu.memory_space<hbm>>) dst(%dma_wait3A_119 : memref<72x64xf32, #tpu.memory_space<vmem>>)
    %add3A_126 = arith.constant 124 : i32
    %add3A_127 = arith.addi %mul3A_2, %add3A_126 : i32
    %dma_start3A_128 = arith.constant 0 : i32
    %dma_start3A_129 = arith.constant 0 : i32
    %dma_start3A_130 = arith.constant 0 : i32
    %dma_start3A_131 = tpu.memref_slice %arg6[%dma_start3A_128, %dma_start3A_129, %dma_start3A_130] : memref<4x200x64xf32, #tpu.memory_space<vmem>> -> memref<1x200x64xf32, #tpu.memory_space<vmem>>
    %dma_start3A_132 = tpu.memref_squeeze %dma_start3A_131 : memref<1x200x64xf32, #tpu.memory_space<vmem>> -> memref<200x64xf32, #tpu.memory_space<vmem>>
    %dma_start3A_133 = arith.constant 0 : i32
    %dma_start3A_134 = arith.constant 0 : i32
    %dma_start3A_135 = tpu.memref_slice %arg4[%add3A_127, %dma_start3A_133, %dma_start3A_134] : memref<4096x200x64xf32, #tpu.memory_space<hbm>> -> memref<1x200x64xf32, #tpu.memory_space<hbm>>
    %dma_start3A_136 = tpu.memref_squeeze %dma_start3A_135 : memref<1x200x64xf32, #tpu.memory_space<hbm>> -> memref<200x64xf32, #tpu.memory_space<hbm>>
    %dma_start3A_137 = arith.constant 0 : i32
    %dma_start3A_138 = arith.constant 0 : i32
    %dma_start3A_139 = tpu.memref_slice %arg4[%add3A_127, %dma_start3A_137, %dma_start3A_138] : memref<4096x200x64xf32, #tpu.memory_space<hbm>> -> memref<1x200x64xf32, #tpu.memory_space<hbm>>
    %dma_start3A_140 = tpu.memref_squeeze %dma_start3A_139 : memref<1x200x64xf32, #tpu.memory_space<hbm>> -> memref<200x64xf32, #tpu.memory_space<hbm>>
    %dma_start3A_141 = arith.constant 0 : i32
    %dma_start3A_142 = arith.constant 0 : i32
    %dma_start3A_143 = tpu.memref_slice %arg6[%dma_start3A_128, %dma_start3A_141, %dma_start3A_142] : memref<4x200x64xf32, #tpu.memory_space<vmem>> -> memref<1x200x64xf32, #tpu.memory_space<vmem>>
    %dma_start3A_144 = tpu.memref_squeeze %dma_start3A_143 : memref<1x200x64xf32, #tpu.memory_space<vmem>> -> memref<200x64xf32, #tpu.memory_space<vmem>>
    tpu.enqueue_dma source(%dma_start3A_144 : memref<200x64xf32, #tpu.memory_space<vmem>>) target(%dma_start3A_140 : memref<200x64xf32, #tpu.memory_space<hbm>>) target_semaphore(%arg15 : memref<!tpu.dma_semaphore, #tpu.memory_space<semaphore_mem>>)
    %dma_wait3A_145 = arith.constant 125 : i32
    %dma_wait3A_146 = arith.constant 1 : i32
    %dma_wait3A_147 = arith.constant 0 : i32
    %dma_wait3A_148 = arith.constant 0 : i32
    %dma_wait3A_149 = tpu.memref_slice %arg6[%dma_wait3A_146, %dma_wait3A_147, %dma_wait3A_148] : memref<4x200x64xf32, #tpu.memory_space<vmem>> -> memref<1x128x64xf32, #tpu.memory_space<vmem>>
    %dma_wait3A_150 = tpu.memref_squeeze %dma_wait3A_149 : memref<1x128x64xf32, #tpu.memory_space<vmem>> -> memref<128x64xf32, #tpu.memory_space<vmem>>
    %dma_wait3A_151 = arith.constant 0 : i32
    %dma_wait3A_152 = tpu.memref_slice %arg5[%dma_wait3A_145, %dma_wait3A_151] : memref<128x200xi32, #tpu.memory_space<vmem>> -> memref<1x128xi32, #tpu.memory_space<vmem>>
    %dma_wait3A_153 = tpu.memref_squeeze %dma_wait3A_152 : memref<1x128xi32, #tpu.memory_space<vmem>> -> memref<128xi32, #tpu.memory_space<vmem>>
    %dma_wait3A_154 = arith.constant 0 : i32
    %dma_wait3A_155 = arith.constant 0 : i32
    %dma_wait3A_156 = tpu.memref_slice %arg3[%dma_wait3A_154, %dma_wait3A_155] : memref<1000000x64xf32, #tpu.memory_space<hbm>> -> memref<1000000x64xf32, #tpu.memory_space<hbm>>
    tpu.wait_indirect_dma semaphore(%arg8 : memref<!tpu.dma_semaphore, #tpu.memory_space<semaphore_mem>>) src(%dma_wait3A_156 : memref<1000000x64xf32, #tpu.memory_space<hbm>>) dst(%dma_wait3A_150 : memref<128x64xf32, #tpu.memory_space<vmem>>)
    %dma_wait3A_157 = arith.constant 125 : i32
    %dma_wait3A_158 = arith.constant 1 : i32
    %dma_wait3A_159 = arith.constant 128 : i32
    %dma_wait3A_160 = arith.constant 0 : i32
    %dma_wait3A_161 = tpu.memref_slice %arg6[%dma_wait3A_158, %dma_wait3A_159, %dma_wait3A_160] : memref<4x200x64xf32, #tpu.memory_space<vmem>> -> memref<1x72x64xf32, #tpu.memory_space<vmem>>
    %dma_wait3A_162 = tpu.memref_squeeze %dma_wait3A_161 : memref<1x72x64xf32, #tpu.memory_space<vmem>> -> memref<72x64xf32, #tpu.memory_space<vmem>>
    %dma_wait3A_163 = arith.constant 128 : i32
    %dma_wait3A_164 = tpu.memref_slice %arg5[%dma_wait3A_157, %dma_wait3A_163] : memref<128x200xi32, #tpu.memory_space<vmem>> -> memref<1x72xi32, #tpu.memory_space<vmem>>
    %dma_wait3A_165 = tpu.memref_squeeze %dma_wait3A_164 : memref<1x72xi32, #tpu.memory_space<vmem>> -> memref<72xi32, #tpu.memory_space<vmem>>
    %dma_wait3A_166 = arith.constant 0 : i32
    %dma_wait3A_167 = arith.constant 0 : i32
    %dma_wait3A_168 = tpu.memref_slice %arg3[%dma_wait3A_166, %dma_wait3A_167] : memref<1000000x64xf32, #tpu.memory_space<hbm>> -> memref<1000000x64xf32, #tpu.memory_space<hbm>>
    tpu.wait_indirect_dma semaphore(%arg12 : memref<!tpu.dma_semaphore, #tpu.memory_space<semaphore_mem>>) src(%dma_wait3A_168 : memref<1000000x64xf32, #tpu.memory_space<hbm>>) dst(%dma_wait3A_162 : memref<72x64xf32, #tpu.memory_space<vmem>>)
    %add3A_169 = arith.constant 125 : i32
    %add3A_170 = arith.addi %mul3A_2, %add3A_169 : i32
    %dma_start3A_171 = arith.constant 1 : i32
    %dma_start3A_172 = arith.constant 0 : i32
    %dma_start3A_173 = arith.constant 0 : i32
    %dma_start3A_174 = tpu.memref_slice %arg6[%dma_start3A_171, %dma_start3A_172, %dma_start3A_173] : memref<4x200x64xf32, #tpu.memory_space<vmem>> -> memref<1x200x64xf32, #tpu.memory_space<vmem>>
    %dma_start3A_175 = tpu.memref_squeeze %dma_start3A_174 : memref<1x200x64xf32, #tpu.memory_space<vmem>> -> memref<200x64xf32, #tpu.memory_space<vmem>>
    %dma_start3A_176 = arith.constant 0 : i32
    %dma_start3A_177 = arith.constant 0 : i32
    %dma_start3A_178 = tpu.memref_slice %arg4[%add3A_170, %dma_start3A_176, %dma_start3A_177] : memref<4096x200x64xf32, #tpu.memory_space<hbm>> -> memref<1x200x64xf32, #tpu.memory_space<hbm>>
    %dma_start3A_179 = tpu.memref_squeeze %dma_start3A_178 : memref<1x200x64xf32, #tpu.memory_space<hbm>> -> memref<200x64xf32, #tpu.memory_space<hbm>>
    %dma_start3A_180 = arith.constant 0 : i32
    %dma_start3A_181 = arith.constant 0 : i32
    %dma_start3A_182 = tpu.memref_slice %arg4[%add3A_170, %dma_start3A_180, %dma_start3A_181] : memref<4096x200x64xf32, #tpu.memory_space<hbm>> -> memref<1x200x64xf32, #tpu.memory_space<hbm>>
    %dma_start3A_183 = tpu.memref_squeeze %dma_start3A_182 : memref<1x200x64xf32, #tpu.memory_space<hbm>> -> memref<200x64xf32, #tpu.memory_space<hbm>>
    %dma_start3A_184 = arith.constant 0 : i32
    %dma_start3A_185 = arith.constant 0 : i32
    %dma_start3A_186 = tpu.memref_slice %arg6[%dma_start3A_171, %dma_start3A_184, %dma_start3A_185] : memref<4x200x64xf32, #tpu.memory_space<vmem>> -> memref<1x200x64xf32, #tpu.memory_space<vmem>>
    %dma_start3A_187 = tpu.memref_squeeze %dma_start3A_186 : memref<1x200x64xf32, #tpu.memory_space<vmem>> -> memref<200x64xf32, #tpu.memory_space<vmem>>
    tpu.enqueue_dma source(%dma_start3A_187 : memref<200x64xf32, #tpu.memory_space<vmem>>) target(%dma_start3A_183 : memref<200x64xf32, #tpu.memory_space<hbm>>) target_semaphore(%arg16 : memref<!tpu.dma_semaphore, #tpu.memory_space<semaphore_mem>>)
    %dma_wait3A_188 = arith.constant 126 : i32
    %dma_wait3A_189 = arith.constant 2 : i32
    %dma_wait3A_190 = arith.constant 0 : i32
    %dma_wait3A_191 = arith.constant 0 : i32
    %dma_wait3A_192 = tpu.memref_slice %arg6[%dma_wait3A_189, %dma_wait3A_190, %dma_wait3A_191] : memref<4x200x64xf32, #tpu.memory_space<vmem>> -> memref<1x128x64xf32, #tpu.memory_space<vmem>>
    %dma_wait3A_193 = tpu.memref_squeeze %dma_wait3A_192 : memref<1x128x64xf32, #tpu.memory_space<vmem>> -> memref<128x64xf32, #tpu.memory_space<vmem>>
    %dma_wait3A_194 = arith.constant 0 : i32
    %dma_wait3A_195 = tpu.memref_slice %arg5[%dma_wait3A_188, %dma_wait3A_194] : memref<128x200xi32, #tpu.memory_space<vmem>> -> memref<1x128xi32, #tpu.memory_space<vmem>>
    %dma_wait3A_196 = tpu.memref_squeeze %dma_wait3A_195 : memref<1x128xi32, #tpu.memory_space<vmem>> -> memref<128xi32, #tpu.memory_space<vmem>>
    %dma_wait3A_197 = arith.constant 0 : i32
    %dma_wait3A_198 = arith.constant 0 : i32
    %dma_wait3A_199 = tpu.memref_slice %arg3[%dma_wait3A_197, %dma_wait3A_198] : memref<1000000x64xf32, #tpu.memory_space<hbm>> -> memref<1000000x64xf32, #tpu.memory_space<hbm>>
    tpu.wait_indirect_dma semaphore(%arg9 : memref<!tpu.dma_semaphore, #tpu.memory_space<semaphore_mem>>) src(%dma_wait3A_199 : memref<1000000x64xf32, #tpu.memory_space<hbm>>) dst(%dma_wait3A_193 : memref<128x64xf32, #tpu.memory_space<vmem>>)
    %dma_wait3A_200 = arith.constant 126 : i32
    %dma_wait3A_201 = arith.constant 2 : i32
    %dma_wait3A_202 = arith.constant 128 : i32
    %dma_wait3A_203 = arith.constant 0 : i32
    %dma_wait3A_204 = tpu.memref_slice %arg6[%dma_wait3A_201, %dma_wait3A_202, %dma_wait3A_203] : memref<4x200x64xf32, #tpu.memory_space<vmem>> -> memref<1x72x64xf32, #tpu.memory_space<vmem>>
    %dma_wait3A_205 = tpu.memref_squeeze %dma_wait3A_204 : memref<1x72x64xf32, #tpu.memory_space<vmem>> -> memref<72x64xf32, #tpu.memory_space<vmem>>
    %dma_wait3A_206 = arith.constant 128 : i32
    %dma_wait3A_207 = tpu.memref_slice %arg5[%dma_wait3A_200, %dma_wait3A_206] : memref<128x200xi32, #tpu.memory_space<vmem>> -> memref<1x72xi32, #tpu.memory_space<vmem>>
    %dma_wait3A_208 = tpu.memref_squeeze %dma_wait3A_207 : memref<1x72xi32, #tpu.memory_space<vmem>> -> memref<72xi32, #tpu.memory_space<vmem>>
    %dma_wait3A_209 = arith.constant 0 : i32
    %dma_wait3A_210 = arith.constant 0 : i32
    %dma_wait3A_211 = tpu.memref_slice %arg3[%dma_wait3A_209, %dma_wait3A_210] : memref<1000000x64xf32, #tpu.memory_space<hbm>> -> memref<1000000x64xf32, #tpu.memory_space<hbm>>
    tpu.wait_indirect_dma semaphore(%arg13 : memref<!tpu.dma_semaphore, #tpu.memory_space<semaphore_mem>>) src(%dma_wait3A_211 : memref<1000000x64xf32, #tpu.memory_space<hbm>>) dst(%dma_wait3A_205 : memref<72x64xf32, #tpu.memory_space<vmem>>)
    %add3A_212 = arith.constant 126 : i32
    %add3A_213 = arith.addi %mul3A_2, %add3A_212 : i32
    %dma_start3A_214 = arith.constant 2 : i32
    %dma_start3A_215 = arith.constant 0 : i32
    %dma_start3A_216 = arith.constant 0 : i32
    %dma_start3A_217 = tpu.memref_slice %arg6[%dma_start3A_214, %dma_start3A_215, %dma_start3A_216] : memref<4x200x64xf32, #tpu.memory_space<vmem>> -> memref<1x200x64xf32, #tpu.memory_space<vmem>>
    %dma_start3A_218 = tpu.memref_squeeze %dma_start3A_217 : memref<1x200x64xf32, #tpu.memory_space<vmem>> -> memref<200x64xf32, #tpu.memory_space<vmem>>
    %dma_start3A_219 = arith.constant 0 : i32
    %dma_start3A_220 = arith.constant 0 : i32
    %dma_start3A_221 = tpu.memref_slice %arg4[%add3A_213, %dma_start3A_219, %dma_start3A_220] : memref<4096x200x64xf32, #tpu.memory_space<hbm>> -> memref<1x200x64xf32, #tpu.memory_space<hbm>>
    %dma_start3A_222 = tpu.memref_squeeze %dma_start3A_221 : memref<1x200x64xf32, #tpu.memory_space<hbm>> -> memref<200x64xf32, #tpu.memory_space<hbm>>
    %dma_start3A_223 = arith.constant 0 : i32
    %dma_start3A_224 = arith.constant 0 : i32
    %dma_start3A_225 = tpu.memref_slice %arg4[%add3A_213, %dma_start3A_223, %dma_start3A_224] : memref<4096x200x64xf32, #tpu.memory_space<hbm>> -> memref<1x200x64xf32, #tpu.memory_space<hbm>>
    %dma_start3A_226 = tpu.memref_squeeze %dma_start3A_225 : memref<1x200x64xf32, #tpu.memory_space<hbm>> -> memref<200x64xf32, #tpu.memory_space<hbm>>
    %dma_start3A_227 = arith.constant 0 : i32
    %dma_start3A_228 = arith.constant 0 : i32
    %dma_start3A_229 = tpu.memref_slice %arg6[%dma_start3A_214, %dma_start3A_227, %dma_start3A_228] : memref<4x200x64xf32, #tpu.memory_space<vmem>> -> memref<1x200x64xf32, #tpu.memory_space<vmem>>
    %dma_start3A_230 = tpu.memref_squeeze %dma_start3A_229 : memref<1x200x64xf32, #tpu.memory_space<vmem>> -> memref<200x64xf32, #tpu.memory_space<vmem>>
    tpu.enqueue_dma source(%dma_start3A_230 : memref<200x64xf32, #tpu.memory_space<vmem>>) target(%dma_start3A_226 : memref<200x64xf32, #tpu.memory_space<hbm>>) target_semaphore(%arg17 : memref<!tpu.dma_semaphore, #tpu.memory_space<semaphore_mem>>)
    %dma_wait3A_231 = arith.constant 127 : i32
    %dma_wait3A_232 = arith.constant 3 : i32
    %dma_wait3A_233 = arith.constant 0 : i32
    %dma_wait3A_234 = arith.constant 0 : i32
    %dma_wait3A_235 = tpu.memref_slice %arg6[%dma_wait3A_232, %dma_wait3A_233, %dma_wait3A_234] : memref<4x200x64xf32, #tpu.memory_space<vmem>> -> memref<1x128x64xf32, #tpu.memory_space<vmem>>
    %dma_wait3A_236 = tpu.memref_squeeze %dma_wait3A_235 : memref<1x128x64xf32, #tpu.memory_space<vmem>> -> memref<128x64xf32, #tpu.memory_space<vmem>>
    %dma_wait3A_237 = arith.constant 0 : i32
    %dma_wait3A_238 = tpu.memref_slice %arg5[%dma_wait3A_231, %dma_wait3A_237] : memref<128x200xi32, #tpu.memory_space<vmem>> -> memref<1x128xi32, #tpu.memory_space<vmem>>
    %dma_wait3A_239 = tpu.memref_squeeze %dma_wait3A_238 : memref<1x128xi32, #tpu.memory_space<vmem>> -> memref<128xi32, #tpu.memory_space<vmem>>
    %dma_wait3A_240 = arith.constant 0 : i32
    %dma_wait3A_241 = arith.constant 0 : i32
    %dma_wait3A_242 = tpu.memref_slice %arg3[%dma_wait3A_240, %dma_wait3A_241] : memref<1000000x64xf32, #tpu.memory_space<hbm>> -> memref<1000000x64xf32, #tpu.memory_space<hbm>>
    tpu.wait_indirect_dma semaphore(%arg10 : memref<!tpu.dma_semaphore, #tpu.memory_space<semaphore_mem>>) src(%dma_wait3A_242 : memref<1000000x64xf32, #tpu.memory_space<hbm>>) dst(%dma_wait3A_236 : memref<128x64xf32, #tpu.memory_space<vmem>>)
    %dma_wait3A_243 = arith.constant 127 : i32
    %dma_wait3A_244 = arith.constant 3 : i32
    %dma_wait3A_245 = arith.constant 128 : i32
    %dma_wait3A_246 = arith.constant 0 : i32
    %dma_wait3A_247 = tpu.memref_slice %arg6[%dma_wait3A_244, %dma_wait3A_245, %dma_wait3A_246] : memref<4x200x64xf32, #tpu.memory_space<vmem>> -> memref<1x72x64xf32, #tpu.memory_space<vmem>>
    %dma_wait3A_248 = tpu.memref_squeeze %dma_wait3A_247 : memref<1x72x64xf32, #tpu.memory_space<vmem>> -> memref<72x64xf32, #tpu.memory_space<vmem>>
    %dma_wait3A_249 = arith.constant 128 : i32
    %dma_wait3A_250 = tpu.memref_slice %arg5[%dma_wait3A_243, %dma_wait3A_249] : memref<128x200xi32, #tpu.memory_space<vmem>> -> memref<1x72xi32, #tpu.memory_space<vmem>>
    %dma_wait3A_251 = tpu.memref_squeeze %dma_wait3A_250 : memref<1x72xi32, #tpu.memory_space<vmem>> -> memref<72xi32, #tpu.memory_space<vmem>>
    %dma_wait3A_252 = arith.constant 0 : i32
    %dma_wait3A_253 = arith.constant 0 : i32
    %dma_wait3A_254 = tpu.memref_slice %arg3[%dma_wait3A_252, %dma_wait3A_253] : memref<1000000x64xf32, #tpu.memory_space<hbm>> -> memref<1000000x64xf32, #tpu.memory_space<hbm>>
    tpu.wait_indirect_dma semaphore(%arg14 : memref<!tpu.dma_semaphore, #tpu.memory_space<semaphore_mem>>) src(%dma_wait3A_254 : memref<1000000x64xf32, #tpu.memory_space<hbm>>) dst(%dma_wait3A_248 : memref<72x64xf32, #tpu.memory_space<vmem>>)
    %add3A_255 = arith.constant 127 : i32
    %add3A_256 = arith.addi %mul3A_2, %add3A_255 : i32
    %dma_start3A_257 = arith.constant 3 : i32
    %dma_start3A_258 = arith.constant 0 : i32
    %dma_start3A_259 = arith.constant 0 : i32
    %dma_start3A_260 = tpu.memref_slice %arg6[%dma_start3A_257, %dma_start3A_258, %dma_start3A_259] : memref<4x200x64xf32, #tpu.memory_space<vmem>> -> memref<1x200x64xf32, #tpu.memory_space<vmem>>
    %dma_start3A_261 = tpu.memref_squeeze %dma_start3A_260 : memref<1x200x64xf32, #tpu.memory_space<vmem>> -> memref<200x64xf32, #tpu.memory_space<vmem>>
    %dma_start3A_262 = arith.constant 0 : i32
    %dma_start3A_263 = arith.constant 0 : i32
    %dma_start3A_264 = tpu.memref_slice %arg4[%add3A_256, %dma_start3A_262, %dma_start3A_263] : memref<4096x200x64xf32, #tpu.memory_space<hbm>> -> memref<1x200x64xf32, #tpu.memory_space<hbm>>
    %dma_start3A_265 = tpu.memref_squeeze %dma_start3A_264 : memref<1x200x64xf32, #tpu.memory_space<hbm>> -> memref<200x64xf32, #tpu.memory_space<hbm>>
    %dma_start3A_266 = arith.constant 0 : i32
    %dma_start3A_267 = arith.constant 0 : i32
    %dma_start3A_268 = tpu.memref_slice %arg4[%add3A_256, %dma_start3A_266, %dma_start3A_267] : memref<4096x200x64xf32, #tpu.memory_space<hbm>> -> memref<1x200x64xf32, #tpu.memory_space<hbm>>
    %dma_start3A_269 = tpu.memref_squeeze %dma_start3A_268 : memref<1x200x64xf32, #tpu.memory_space<hbm>> -> memref<200x64xf32, #tpu.memory_space<hbm>>
    %dma_start3A_270 = arith.constant 0 : i32
    %dma_start3A_271 = arith.constant 0 : i32
    %dma_start3A_272 = tpu.memref_slice %arg6[%dma_start3A_257, %dma_start3A_270, %dma_start3A_271] : memref<4x200x64xf32, #tpu.memory_space<vmem>> -> memref<1x200x64xf32, #tpu.memory_space<vmem>>
    %dma_start3A_273 = tpu.memref_squeeze %dma_start3A_272 : memref<1x200x64xf32, #tpu.memory_space<vmem>> -> memref<200x64xf32, #tpu.memory_space<vmem>>
    tpu.enqueue_dma source(%dma_start3A_273 : memref<200x64xf32, #tpu.memory_space<vmem>>) target(%dma_start3A_269 : memref<200x64xf32, #tpu.memory_space<hbm>>) target_semaphore(%arg18 : memref<!tpu.dma_semaphore, #tpu.memory_space<semaphore_mem>>)
    %add3A_274 = arith.constant 124 : i32
    %add3A_275 = arith.addi %mul3A_2, %add3A_274 : i32
    %dma_wait3A_276 = arith.constant 0 : i32
    %dma_wait3A_277 = arith.constant 0 : i32
    %dma_wait3A_278 = arith.constant 0 : i32
    %dma_wait3A_279 = tpu.memref_slice %arg6[%dma_wait3A_276, %dma_wait3A_277, %dma_wait3A_278] : memref<4x200x64xf32, #tpu.memory_space<vmem>> -> memref<1x200x64xf32, #tpu.memory_space<vmem>>
    %dma_wait3A_280 = tpu.memref_squeeze %dma_wait3A_279 : memref<1x200x64xf32, #tpu.memory_space<vmem>> -> memref<200x64xf32, #tpu.memory_space<vmem>>
    %dma_wait3A_281 = arith.constant 0 : i32
    %dma_wait3A_282 = arith.constant 0 : i32
    %dma_wait3A_283 = tpu.memref_slice %arg4[%add3A_275, %dma_wait3A_281, %dma_wait3A_282] : memref<4096x200x64xf32, #tpu.memory_space<hbm>> -> memref<1x200x64xf32, #tpu.memory_space<hbm>>
    %dma_wait3A_284 = tpu.memref_squeeze %dma_wait3A_283 : memref<1x200x64xf32, #tpu.memory_space<hbm>> -> memref<200x64xf32, #tpu.memory_space<hbm>>
    %dma_wait3A_285 = arith.constant 0 : i32
    %dma_wait3A_286 = arith.constant 0 : i32
    %dma_wait3A_287 = tpu.memref_slice %arg4[%add3A_275, %dma_wait3A_285, %dma_wait3A_286] : memref<4096x200x64xf32, #tpu.memory_space<hbm>> -> memref<1x200x64xf32, #tpu.memory_space<hbm>>
    %dma_wait3A_288 = tpu.memref_squeeze %dma_wait3A_287 : memref<1x200x64xf32, #tpu.memory_space<hbm>> -> memref<200x64xf32, #tpu.memory_space<hbm>>
    %dma_wait3A_289 = arith.constant 0 : i32
    %dma_wait3A_290 = arith.constant 0 : i32
    %dma_wait3A_291 = tpu.memref_slice %arg6[%dma_wait3A_276, %dma_wait3A_289, %dma_wait3A_290] : memref<4x200x64xf32, #tpu.memory_space<vmem>> -> memref<1x200x64xf32, #tpu.memory_space<vmem>>
    %dma_wait3A_292 = tpu.memref_squeeze %dma_wait3A_291 : memref<1x200x64xf32, #tpu.memory_space<vmem>> -> memref<200x64xf32, #tpu.memory_space<vmem>>
    tpu.wait_dma2 semaphore(%arg15 : memref<!tpu.dma_semaphore, #tpu.memory_space<semaphore_mem>>) src(%dma_wait3A_292 : memref<200x64xf32, #tpu.memory_space<vmem>>) dst(%dma_wait3A_288 : memref<200x64xf32, #tpu.memory_space<hbm>>)
    %add3A_293 = arith.constant 125 : i32
    %add3A_294 = arith.addi %mul3A_2, %add3A_293 : i32
    %dma_wait3A_295 = arith.constant 1 : i32
    %dma_wait3A_296 = arith.constant 0 : i32
    %dma_wait3A_297 = arith.constant 0 : i32
    %dma_wait3A_298 = tpu.memref_slice %arg6[%dma_wait3A_295, %dma_wait3A_296, %dma_wait3A_297] : memref<4x200x64xf32, #tpu.memory_space<vmem>> -> memref<1x200x64xf32, #tpu.memory_space<vmem>>
    %dma_wait3A_299 = tpu.memref_squeeze %dma_wait3A_298 : memref<1x200x64xf32, #tpu.memory_space<vmem>> -> memref<200x64xf32, #tpu.memory_space<vmem>>
    %dma_wait3A_300 = arith.constant 0 : i32
    %dma_wait3A_301 = arith.constant 0 : i32
    %dma_wait3A_302 = tpu.memref_slice %arg4[%add3A_294, %dma_wait3A_300, %dma_wait3A_301] : memref<4096x200x64xf32, #tpu.memory_space<hbm>> -> memref<1x200x64xf32, #tpu.memory_space<hbm>>
    %dma_wait3A_303 = tpu.memref_squeeze %dma_wait3A_302 : memref<1x200x64xf32, #tpu.memory_space<hbm>> -> memref<200x64xf32, #tpu.memory_space<hbm>>
    %dma_wait3A_304 = arith.constant 0 : i32
    %dma_wait3A_305 = arith.constant 0 : i32
    %dma_wait3A_306 = tpu.memref_slice %arg4[%add3A_294, %dma_wait3A_304, %dma_wait3A_305] : memref<4096x200x64xf32, #tpu.memory_space<hbm>> -> memref<1x200x64xf32, #tpu.memory_space<hbm>>
    %dma_wait3A_307 = tpu.memref_squeeze %dma_wait3A_306 : memref<1x200x64xf32, #tpu.memory_space<hbm>> -> memref<200x64xf32, #tpu.memory_space<hbm>>
    %dma_wait3A_308 = arith.constant 0 : i32
    %dma_wait3A_309 = arith.constant 0 : i32
    %dma_wait3A_310 = tpu.memref_slice %arg6[%dma_wait3A_295, %dma_wait3A_308, %dma_wait3A_309] : memref<4x200x64xf32, #tpu.memory_space<vmem>> -> memref<1x200x64xf32, #tpu.memory_space<vmem>>
    %dma_wait3A_311 = tpu.memref_squeeze %dma_wait3A_310 : memref<1x200x64xf32, #tpu.memory_space<vmem>> -> memref<200x64xf32, #tpu.memory_space<vmem>>
    tpu.wait_dma2 semaphore(%arg16 : memref<!tpu.dma_semaphore, #tpu.memory_space<semaphore_mem>>) src(%dma_wait3A_311 : memref<200x64xf32, #tpu.memory_space<vmem>>) dst(%dma_wait3A_307 : memref<200x64xf32, #tpu.memory_space<hbm>>)
    %add3A_312 = arith.constant 126 : i32
    %add3A_313 = arith.addi %mul3A_2, %add3A_312 : i32
    %dma_wait3A_314 = arith.constant 2 : i32
    %dma_wait3A_315 = arith.constant 0 : i32
    %dma_wait3A_316 = arith.constant 0 : i32
    %dma_wait3A_317 = tpu.memref_slice %arg6[%dma_wait3A_314, %dma_wait3A_315, %dma_wait3A_316] : memref<4x200x64xf32, #tpu.memory_space<vmem>> -> memref<1x200x64xf32, #tpu.memory_space<vmem>>
    %dma_wait3A_318 = tpu.memref_squeeze %dma_wait3A_317 : memref<1x200x64xf32, #tpu.memory_space<vmem>> -> memref<200x64xf32, #tpu.memory_space<vmem>>
    %dma_wait3A_319 = arith.constant 0 : i32
    %dma_wait3A_320 = arith.constant 0 : i32
    %dma_wait3A_321 = tpu.memref_slice %arg4[%add3A_313, %dma_wait3A_319, %dma_wait3A_320] : memref<4096x200x64xf32, #tpu.memory_space<hbm>> -> memref<1x200x64xf32, #tpu.memory_space<hbm>>
    %dma_wait3A_322 = tpu.memref_squeeze %dma_wait3A_321 : memref<1x200x64xf32, #tpu.memory_space<hbm>> -> memref<200x64xf32, #tpu.memory_space<hbm>>
    %dma_wait3A_323 = arith.constant 0 : i32
    %dma_wait3A_324 = arith.constant 0 : i32
    %dma_wait3A_325 = tpu.memref_slice %arg4[%add3A_313, %dma_wait3A_323, %dma_wait3A_324] : memref<4096x200x64xf32, #tpu.memory_space<hbm>> -> memref<1x200x64xf32, #tpu.memory_space<hbm>>
    %dma_wait3A_326 = tpu.memref_squeeze %dma_wait3A_325 : memref<1x200x64xf32, #tpu.memory_space<hbm>> -> memref<200x64xf32, #tpu.memory_space<hbm>>
    %dma_wait3A_327 = arith.constant 0 : i32
    %dma_wait3A_328 = arith.constant 0 : i32
    %dma_wait3A_329 = tpu.memref_slice %arg6[%dma_wait3A_314, %dma_wait3A_327, %dma_wait3A_328] : memref<4x200x64xf32, #tpu.memory_space<vmem>> -> memref<1x200x64xf32, #tpu.memory_space<vmem>>
    %dma_wait3A_330 = tpu.memref_squeeze %dma_wait3A_329 : memref<1x200x64xf32, #tpu.memory_space<vmem>> -> memref<200x64xf32, #tpu.memory_space<vmem>>
    tpu.wait_dma2 semaphore(%arg17 : memref<!tpu.dma_semaphore, #tpu.memory_space<semaphore_mem>>) src(%dma_wait3A_330 : memref<200x64xf32, #tpu.memory_space<vmem>>) dst(%dma_wait3A_326 : memref<200x64xf32, #tpu.memory_space<hbm>>)
    %add3A_331 = arith.constant 127 : i32
    %add3A_332 = arith.addi %mul3A_2, %add3A_331 : i32
    %dma_wait3A_333 = arith.constant 3 : i32
    %dma_wait3A_334 = arith.constant 0 : i32
    %dma_wait3A_335 = arith.constant 0 : i32
    %dma_wait3A_336 = tpu.memref_slice %arg6[%dma_wait3A_333, %dma_wait3A_334, %dma_wait3A_335] : memref<4x200x64xf32, #tpu.memory_space<vmem>> -> memref<1x200x64xf32, #tpu.memory_space<vmem>>
    %dma_wait3A_337 = tpu.memref_squeeze %dma_wait3A_336 : memref<1x200x64xf32, #tpu.memory_space<vmem>> -> memref<200x64xf32, #tpu.memory_space<vmem>>
    %dma_wait3A_338 = arith.constant 0 : i32
    %dma_wait3A_339 = arith.constant 0 : i32
    %dma_wait3A_340 = tpu.memref_slice %arg4[%add3A_332, %dma_wait3A_338, %dma_wait3A_339] : memref<4096x200x64xf32, #tpu.memory_space<hbm>> -> memref<1x200x64xf32, #tpu.memory_space<hbm>>
    %dma_wait3A_341 = tpu.memref_squeeze %dma_wait3A_340 : memref<1x200x64xf32, #tpu.memory_space<hbm>> -> memref<200x64xf32, #tpu.memory_space<hbm>>
    %dma_wait3A_342 = arith.constant 0 : i32
    %dma_wait3A_343 = arith.constant 0 : i32
    %dma_wait3A_344 = tpu.memref_slice %arg4[%add3A_332, %dma_wait3A_342, %dma_wait3A_343] : memref<4096x200x64xf32, #tpu.memory_space<hbm>> -> memref<1x200x64xf32, #tpu.memory_space<hbm>>
    %dma_wait3A_345 = tpu.memref_squeeze %dma_wait3A_344 : memref<1x200x64xf32, #tpu.memory_space<hbm>> -> memref<200x64xf32, #tpu.memory_space<hbm>>
    %dma_wait3A_346 = arith.constant 0 : i32
    %dma_wait3A_347 = arith.constant 0 : i32
    %dma_wait3A_348 = tpu.memref_slice %arg6[%dma_wait3A_333, %dma_wait3A_346, %dma_wait3A_347] : memref<4x200x64xf32, #tpu.memory_space<vmem>> -> memref<1x200x64xf32, #tpu.memory_space<vmem>>
    %dma_wait3A_349 = tpu.memref_squeeze %dma_wait3A_348 : memref<1x200x64xf32, #tpu.memory_space<vmem>> -> memref<200x64xf32, #tpu.memory_space<vmem>>
    tpu.wait_dma2 semaphore(%arg18 : memref<!tpu.dma_semaphore, #tpu.memory_space<semaphore_mem>>) src(%dma_wait3A_349 : memref<200x64xf32, #tpu.memory_space<vmem>>) dst(%dma_wait3A_345 : memref<200x64xf32, #tpu.memory_space<hbm>>)
    return
  }
}

</mosaic_0001>

<sc_bundles>
// kernel: kernel.3.cloned.1.call-start
scs
__scs_entry_jumppad:
0x0: {  	(pc) =	sbr.rel $0x88, $3  }
0x1: {  	(tag) =	ssettag $0x0;
	lr =	simm.s32 $0x1  }
0x2: {  	[smem:$0x3F9F] =	sst lr;
	_ =	strace $0xD0000000  }
0x3: {  	_ = 	snop  }
0x4: {  	_ = 	snop  }
0x5: {  	_ = 	snop  }
0x6: {  	_ = 	snop  }
0x7: {  	_ = 	snop  }
__scs_overlays_trampoline_lowered:
0x8: {  	[smem:$0x3FAE] =	sst s0  }
0x9: {  	[smem:$0x3FAF] =	sst s1  }
0xa: {  	[smem:$0x3FB0] =	sst s2  }
0xb: {  	[smem:$0x3FB1] =	sst s3  }
0xc: {  	[smem:$0x3FB2] =	sst s4  }
0xd: {  	[smem:$0x3FB3] =	sst s5  }
0xe: {  	[smem:$0x3FB4] =	sst s6  }
0xf: {  	[smem:$0x3FB5] =	sst s7  }
0x10: {  	[smem:$0x3FB6] =	sst s8  }
0x11: {  	[smem:$0x3FB7] =	sst s9;
	s0 =	simm.s32 @!p0 $0x0  }
0x12: {  	s1 =	sld [smem:$0x3F9D];
	s0 =	simm.s32 @p0 $0x1  }
0x13: {  	[smem:$0x3FB8] =	sst s0;
	s0 =	simm.s32 @!p1 $0x0  }
0x14: {  	s2 =	sld [smem:$0x3F9C];
	s0 =	simm.s32 @p1 $0x1  }
0x15: {  	[smem:$0x3FB9] =	sst s0;
	s0 =	simm.s32 @!p2 $0x0  }
0x16: {  	s3 =	sld [smem:$0x3FDB];
	s0 =	simm.s32 @p2 $0x1  }
0x17: {  	s4 =	simm.s32 $0x1BF5;
	[smem:$0x3FBB] =	sst s0  }
0x18: {  	s0 =	sld [smem:$0x3F9E];
	_ =	swait.ge [sflag:s4], $0x0  }
0x19: {  	s7 =	sld [smem:$0x3F9F]  }
0x1a: {  	s8 =	sadd.s32 $0xFFFFE003, lr  }
0x1b: {  	s9 =	sadd.s32 $0xFFFFFEF7, lr;
	s5 =	simm.s32 $0xFFFFFFFF;
	p2 =	slt.u32 s8, $0xFFFFF086  }
0x1c: {  	p1 =	slt.u32 s9, $0xF7A;
	s5 =	simm.s32 @!p2 $0x0  }
0x1d: {  	s5 =	simm.s32 @p1 $0x1;
	p0 =	seq.s32 s7, s2  }
0x1e: {  	s7 =	smul.u32 @!p0 $0xF7A, s2;
	p2 =	seq.s32 @!p0 s5, $0x0  }
0x1f: {  	s9 =	smul.u32 $0xF7A, s1;
	s8 =	simm.s32 @!p0 $0x1BF5;
	p2 =	por !p2, p0  }
0x20: {  	[sflag:s8] =	ssyncset.s32 @!p0 $0xFFFFF086;
	s6 =	sadd.s32 @!p0 s3, s7;
	s7 =	simm.s32 @!p0 $0x108  }
0x21: {  	s3 =	sadd.s32 s3, s9;
	s6 =	sadd.s32 @!p0 $0x88, s6;
	s7 =	simm.s32 @p2 $0x1082  }
0x22: {  	[simem:s7], [sflag:s8] =	dma.local @!p0 [hbm:s6], $0xF7A  }
0x23: {  	s9 =	sor.u32 $0xD0000000, s2;
	s6 =	simm.s32 $0x108;
	_ =	swait.ge @!p0 [sflag:s8], $0x0  }
0x24: {  	s3 =	sadd.s32 $0x88, s3;
	s6 =	simm.s32 @!p1 $0x1082;
	[sflag:s4] =	ssyncset.s32 $0xFFFFF086  }
0x25: {  	[simem:s6], [sflag:s4] =	dma.local [hbm:s3], $0xF7A  }
0x26: {  	[smem:$0x3F9F] =	sst s1;
	(tag) =	ssettag s2;
	_ =	strace s9  }
0x27: {  	s1 =	sld [smem:$0x3FAF]  }
0x28: {  	s2 =	sld [smem:$0x3FB0]  }
0x29: {  	s4 =	sld [smem:$0x3FB2]  }
0x2a: {  	p0 =	seq.s32 s5, $0x0;
	s5 =	sld [smem:$0x3FB3]  }
0x2b: {  	s6 =	sld [smem:$0x3FB4]  }
0x2c: {  	s7 =	sld [smem:$0x3FB5]  }
0x2d: {  	s3 =	simm.s32 $0x108;
	s8 =	sld [smem:$0x3FB6]  }
0x2e: {  	s3 =	simm.s32 @!p0 $0x1082;
	s9 =	sld [smem:$0x3FB7]  }
0x2f: {  	lr =	sadd.s32 s0, s3;
	s0 =	sld [smem:$0x3FAE]  }
0x30: {  	s3 =	sld [smem:$0x3FB1]  }
0x31: {  	[smem:$0x3FBA] =	sst s10  }
0x32: {  	s10 =	sld [smem:$0x3FB8];
	_ =	sdelay $0x3  }
0x33: {  	p0 =	seq.s32 s10, $0x1;
	s10 =	sld [smem:$0x3FBA];
	_ =	sdelay $0x3  }
0x34: {  	[smem:$0x3FBA] =	sst s10  }
0x35: {  	s10 =	sld [smem:$0x3FB9];
	_ =	sdelay $0x3  }
0x36: {  	p1 =	seq.s32 s10, $0x1;
	s10 =	sld [smem:$0x3FBA];
	_ =	sdelay $0x3  }
0x37: {  	[smem:$0x3FBA] =	sst s10  }
0x38: {  	s10 =	sld [smem:$0x3FBB]  }
0x39: {  	_ = 	snop;
	(pc) =	sbr.ind lr, $3  }
0x3a: {  	_ = 	snop  }
0x3b: {  	_ = 	snop  }
0x3c: {  	p2 =	seq.s32 s10, $0x1;
	s10 =	sld [smem:$0x3FBA]  }
0x3d: {  	_ =	shalt  }
0x3e: {  	_ =	shalt  }
0x3f: {  	_ =	shalt  }
0x40: {  	_ =	shalt  }
0x41: {  	_ =	shalt  }
0x42: {  	_ =	shalt  }
0x43: {  	_ =	shalt  }
0x44: {  	_ =	shalt  }
0x45: {  	_ =	shalt  }
0x46: {  	_ =	shalt  }
0x47: {  	_ =	shalt  }
0x48: {  	_ =	shalt  }
0x49: {  	_ =	shalt  }
0x4a: {  	_ =	shalt  }
0x4b: {  	_ =	shalt  }
0x4c: {  	_ =	shalt  }
0x4d: {  	_ =	shalt  }
0x4e: {  	_ =	shalt  }
0x4f: {  	_ =	shalt  }
0x50: {  	_ =	shalt  }
0x51: {  	_ =	shalt  }
0x52: {  	_ =	shalt  }
0x53: {  	_ =	shalt  }
0x54: {  	_ =	shalt  }
0x55: {  	_ =	shalt  }
0x56: {  	_ =	shalt  }
0x57: {  	_ =	shalt  }
0x58: {  	_ =	shalt  }
0x59: {  	_ =	shalt  }
0x5a: {  	_ =	shalt  }
0x5b: {  	_ =	shalt  }
0x5c: {  	_ =	shalt  }
0x5d: {  	_ =	shalt  }
0x5e: {  	_ =	shalt  }
0x5f: {  	_ =	shalt  }
0x60: {  	_ =	shalt  }
0x61: {  	_ =	shalt  }
0x62: {  	_ =	shalt  }
0x63: {  	_ =	shalt  }
0x64: {  	_ =	shalt  }
0x65: {  	_ =	shalt  }
0x66: {  	_ =	shalt  }
0x67: {  	_ =	shalt  }
0x68: {  	_ =	shalt  }
0x69: {  	_ =	shalt  }
0x6a: {  	_ =	shalt  }
0x6b: {  	_ =	shalt  }
0x6c: {  	_ =	shalt  }
0x6d: {  	_ =	shalt  }
0x6e: {  	_ =	shalt  }
0x6f: {  	_ =	shalt  }
0x70: {  	_ =	shalt  }
0x71: {  	_ =	shalt  }
0x72: {  	_ =	shalt  }
0x73: {  	_ =	shalt  }
0x74: {  	_ =	shalt  }
0x75: {  	_ =	shalt  }
0x76: {  	_ =	shalt  }
0x77: {  	_ =	shalt  }
0x78: {  	_ =	shalt  }
0x79: {  	_ =	shalt  }
0x7a: {  	_ =	shalt  }
0x7b: {  	_ =	shalt  }
0x7c: {  	_ =	shalt  }
0x7d: {  	_ =	shalt  }
0x7e: {  	_ =	shalt  }
0x7f: {  	_ =	shalt  }
0x80: {  	_ =	shalt  }
0x81: {  	_ =	shalt  }
0x82: {  	_ =	shalt  }
0x83: {  	_ =	shalt  }
0x84: {  	_ =	shalt  }
0x85: {  	_ =	shalt  }
0x86: {  	_ =	shalt  }
0x87: {  	_ =	shalt  }
.Lfunc_end0:
.L_simem_size_0:
called_computation.1_lowered:
.L_overlay_start_0:
0x88: {  	s2 =	sld [smem:$0x3FD9]  }
0x89: {  	s3 =	sld [smem:$0x3FFE];
	_ =	sdelay $0x1  }
0x8a: {  	s1 =	srdreg.scid  }
0x8b: {  	s0 =	sand.u32 $0x1, s1  }
0x8c: {  	s17 =	sshll.u32 s0, $0xA;
	s2 =	sadd.s32 s3, s2  }
0x8d: {  	s2 =	sadd.s32 s2, s17  }
0x8e: {  	[smem:$0x3FC6] =	sst s2  }
0x8f: {  	_ = 	snop  }
0x90: {  	s2 =	sld [smem:$0x3FD0];
	(tm) =	ssettm $0x1  }
0x91: {  	s18 =	sld [smem:$0x3FFB];
	_ =	sdelay $0x3  }
0x92: {  	_ =	strace s18  }
0x93: {  	s3 =	sld [smem:$0x3FFC];
	_ =	sdelay $0x3  }
0x94: {  	_ =	strace s3  }
0x95: {  	s3 =	sld [smem:$0x3FFD];
	_ =	sdelay $0x3  }
0x96: {  	_ =	strace s3  }
0x97: {  	_ =	strace $0x8FFFFFFF  }
0x98: {  	s19 =	sld [smem:$0x3FDB];
	_ =	sdelay $0x1  }
0x99: {  	s4 =	simm.s32 $_scs_section_size  }
0x9a: {  	s5 =	simm.s32 $_size__tile_overlayer_lowered;
	s6 =	simm.s32 $_tile_overlayer_lowered  }
0x9b: {  	s22 =	simm.s32 $0x1BFF;
	s21 =	sshll.u32 s6, $0x1;
	s3 =	sadd.s32 s4, s19  }
0x9c: {  	s7 =	simm.s32 $0x0;
	s20 =	sshll.u32 s5, $0x1;
	s5 =	sadd.s32 s21, s3  }
0x9d: {  	[timem:s7], [sflag:s22] =	dma.local [hbm:s5], s20  }
0x9e: {  	_ =	swait.ge [sflag:s22], s20  }
0x9f: {  	s4 =	ssub.s32 $0x0, s20;
	[sflag:s22] =	ssyncset.done $0x0  }
0xa0: {  	[sflag:s22] =	ssyncadd.s32 s4;
	_ =	sdelay $0x1  }
0xa1: {  	s23 =	simm.s32 $0x1B8B  }
0xa2: {  	_ =	swait.ge [sflag:s23], $0x1  }
0xa3: {  	[sflag:s23] =	ssyncset.done $0x0  }
0xa4: {  	s25 =	simm.s32 $0x1B8E;
	s24 =	sld [smem:$0x3FFE];
	[sflag:s23] =	ssyncadd.s32 $0xFFFFFFFF  }
0xa5: {  	s26 =	simm.s32 $execute0_lowered;
	[smem:$0x3FD2] =	sst s25  }
0xa6: {  	s5 =	sshll.u32 s26, $0x1;
	_ =	strace $0x80000046;
	[dreg:$0x1] =	wrdreg $0xFFFFFFFF  }
0xa7: {  	s28 =	simm.s32 $_size_execute0_lowered;
	s3 =	sadd.s32 s3, s5;
	[dreg:$0x0] =	wrdreg $0x0  }
0xa8: {  	s5 =	sshll.u32 s28, $0x1;
	[dreg:$0x2] =	wrdreg s3  }
0xa9: {  	[dreg:$0x3] =	wrdreg s5  }
0xaa: {  	[dreg:$0x4] =	wrdreg $0xC0  }
0xab: {  	_ =	task [dreg:s7], $0x5FFFF  }
0xac: {  	[dreg:$0x1] =	wrdreg $0xFFFFFFFF  }
0xad: {  	[dreg:$0x0] =	wrdreg $0x60  }
0xae: {  	[dreg:$0x2] =	wrdreg s24  }
0xaf: {  	[dreg:$0x3] =	wrdreg s2  }
0xb0: {  	[dreg:$0x4] =	wrdreg $0x9  }
0xb1: {  	_ =	task.clear_ibuf [dreg:s7], $0x5FFFF;
	_ =	strace $0x90000046  }
0xb2: {  	s29 =	simm.s32 $0x9;
	_ =	strace $0x80000048  }
0xb3: {  	_ =	swait.ge [sflag:s29], $0x1  }
0xb4: {  	[sflag:s29] =	ssyncadd.s32 $0xFFFFFFFF  }
0xb5: {  	_ =	strace $0x90000048  }
0xb6: {  	_ =	sfence  }
0xb7: {  	s30 =	sld [smem:$0x0];
	_ =	sdelay $0x2  }
0xb8: {  	s31 =	sshll.u32 s1, $0xD;
	s1 =	sshrl.u32 s1, $0x2  }
0xb9: {  	s3 =	sand.u32 $0x4000, s31;
	s1 =	sadd.s32 s1, s30  }
0xba: {  	s0 =	sor.u32 s3, s0;
	s1 =	sshll.u32 s1, $0x11  }
0xbb: {  	s0 =	sor.u32 s1, s0  }
0xbc: {  	s0 =	sadd.s32 $0x8F2B, s0  }
0xbd: {  	[sflag:s0] =	ssyncadd.remote.s32 $0x1  }
0xbe: {  	_ =	sfence.sel $0xFFFF  }
0xbf: {  	[dreg:$0x0] =	wrdreg $0xFFFFFFFF;
	(pc) =	sbr.abs _section_cstart, $3  }
0xc0: {  	[dreg:$0x1] =	wrdreg $0xFFFFFFFF  }
0xc1: {  	_ =	task.clear_ibuf [dreg:s7], $0x2FFFF;
	_ =	strace $0x9FFFFFFF  }
0xc2: {  	(tm) =	ssettm $0x7FFFFFFF  }
0xc3: {  	_ =	shalt  }
tec
execute0_lowered:
.L_overlay_start_1:
0x0: {  	(tag) =	ssettag $0x1  }
0x1: {  	s0 =	srdreg.scid  }
0x2: {  	s8 =	stileid.u32;
	s1 =	rddreg [dreg:$0x0]  }
0x3: {  	s4 =	rddreg [dreg:$0x1];
	s11 =	simm.s32 $0xD;
	s12 =	simm.s32 $0x80  }
0x4: {  	s13 =	simm.s32 $0x6400;
	s14 =	simm.s32 $0x48;
	s15 =	simm.s32 $0x8400  }
0x5: {  	s17 =	simm.s32 $0x9600;
	s19 =	simm.s32 $0xB600;
	s28 =	simm.s32 $0x11A00  }
0x6: {  	s29 =	simm.s32 $0x1;
	s30 =	simm.s32 $0x5;
	s31 =	simm.s32 $0x2  }
0x7: {  	s16 =	simm.s32 $0x7;
	s18 =	simm.s32 $0x4;
	s0 =	sand.u32 $0x1, s0  }
0x8: {  	s2 =	sshll.u32 s8, $0x8;
	s22 =	smul.u32 $0x64000, s8;
	s3 =	sshll.u32 s0, $0x7  }
0x9: {  	s7 =	ssub.s32 $0x2, s0;
	s0 =	smul.u32 $0x32000, s0;
	s3 =	sor.u32 s3, s2  }
0xa: {  	s20 =	simm.s32 $0x8;
	s2 =	simm.s32 $0x0;
	s5 =	smul.u32 $0x19, s3  }
0xb: {  	s21 =	sshrl.u32 s7, $0x1;
	[smem:$0x7FF] =	sst s2;
	s6 =	smul.u32 $0x3200, s3  }
0xc: {  	s3 =	sadd.s32 $0xF42E00, s1;
	_ =	strace $0x80000047;
	s5 =	sadd.s32 s5, s1  }
0xd: {  	s6 =	sshrl.u32 s6, $0x3;
	s1 =	ssub.s32 s7, s21;
	s21 =	simm.s32 $0xC800  }
0xe: {  	s6 =	sadd.s32 s4, s6;
	s5 =	sadd.s32 $0xA00, s5;
	s4 =	sadd.s32 s22, s4  }
0xf: {  	s1 =	smax.u32 s1, $0x1;
	s22 =	simm.s32 $0x9;
	[dreg:$0x3] =	wrdreg s5  }
0x10: {  	s23 =	sadd.s32 $0x30700, s6;
	s24 =	sadd.s32 $0x30D40, s6;
	[dreg:$0x8] =	wrdreg s1  }
0x11: {  	s25 =	sadd.s32 $0x31380, s6;
	s26 =	sadd.s32 $0x319C0, s6;
	[dreg:$0x4] =	wrdreg s23  }
0x12: {  	s10 =	sadd.s32 s0, s4;
	s1 =	simm.s32 $0x6;
	[dreg:$0x5] =	wrdreg s24  }
0x13: {  	s0 =	simm.s32 $0x3;
	s4 =	simm.s32 $0xC;
	[dreg:$0x6] =	wrdreg s25  }
0x14: {  	s5 =	simm.s32 $0x0;
	[dreg:$0x7] =	wrdreg s26;
	s23 =	simm.s32 $0xE800  }
0x15: {  	s25 =	simm.s32 $0xFA00;
	s24 =	simm.s32 $0xA;
	s26 =	simm.s32 $0xB  }
.LBB2_1:
0x16: {  	s6 =	rddreg [dreg:$0x3]  }
0x17: {  	[tilespmem:s2], [sflag:$0xD] =	stream.linear.gather [hbm4b:s6+s2], $0x6400, $0x38;
	[tilespmem:$0x12C00] =	vst v63  }
0x18: {  	_ =	swait.ge [sflag:s11], $0x6400  }
0x19: {  	[sflag:s11] =	ssyncset.done $0x0  }
0x1a: {  	[sflag:s11] =	ssyncadd.s32 $0xFFFF9C00  }
0x1b: {  	[tilespmem:s13], [sflag:$0x1] =	stream.indirect.gather [hbm4b:s3+s12], $0x40, s2, s12, $0xb8;
	[tilespmem:$0x12C00] =	vst v63  }
0x1c: {  	_ = 	snop  }
0x1d: {  	[tilespmem:s15], [sflag:$0x5] =	stream.indirect.gather [hbm4b:s3+s14], $0x40, s12, s14, $0xb8;
	[tilespmem:$0x12C00] =	vst v63  }
0x1e: {  	s9 =	simm.s32 $0xC8  }
0x1f: {  	[tilespmem:s17], [sflag:$0x2] =	stream.indirect.gather [hbm4b:s3+s12], $0x40, s9, s12, $0xb8;
	[tilespmem:$0x12C00] =	vst v63  }
0x20: {  	s7 =	simm.s32 $0x148  }
0x21: {  	[tilespmem:s19], [sflag:$0x6] =	stream.indirect.gather [hbm4b:s3+s14], $0x40, s7, s14, $0xb8;
	[tilespmem:$0x12C00] =	vst v63  }
0x22: {  	s8 =	simm.s32 $0x190  }
0x23: {  	[tilespmem:s21], [sflag:$0x3] =	stream.indirect.gather [hbm4b:s3+s12], $0x40, s8, s12, $0xb8;
	[tilespmem:$0x12C00] =	vst v63  }
0x24: {  	s9 =	simm.s32 $0x210  }
0x25: {  	[tilespmem:s23], [sflag:$0x7] =	stream.indirect.gather [hbm4b:s3+s14], $0x40, s9, s14, $0xb8;
	[tilespmem:$0x12C00] =	vst v63  }
0x26: {  	s7 =	simm.s32 $0x258  }
0x27: {  	[tilespmem:s25], [sflag:$0x4] =	stream.indirect.gather [hbm4b:s3+s12], $0x40, s7, s12, $0xb8;
	[tilespmem:$0x12C00] =	vst v63  }
0x28: {  	s8 =	simm.s32 $0x2D8  }
0x29: {  	[tilespmem:s28], [sflag:$0x8] =	stream.indirect.gather [hbm4b:s3+s14], $0x40, s8, s14, $0xb8;
	[tilespmem:$0x12C00] =	vst v63  }
0x2a: {  	_ =	swait.ge [sflag:s29], $0x2000  }
0x2b: {  	[sflag:s29] =	ssyncset.done $0x0  }
0x2c: {  	[sflag:s29] =	ssyncadd.s32 $0xFFFFE000  }
0x2d: {  	_ =	swait.ge [sflag:s30], $0x1200  }
0x2e: {  	[sflag:s30] =	ssyncset.done $0x0  }
0x2f: {  	[sflag:s30] =	ssyncadd.s32 $0xFFFFEE00  }
0x30: {  	[hbm4b:s10+s2] =	stream.linear.scatter [tilespmem:s13], [sflag:$0x9], $0x3200, $0x38;
	[tilespmem:$0x12C00] =	vst v63  }
0x31: {  	_ =	swait.ge [sflag:s31], $0x2000  }
0x32: {  	[sflag:s31] =	ssyncset.done $0x0  }
0x33: {  	[sflag:s31] =	ssyncadd.s32 $0xFFFFE000  }
0x34: {  	_ =	swait.ge [sflag:s1], $0x1200  }
0x35: {  	[sflag:s1] =	ssyncset.done $0x0  }
0x36: {  	s9 =	sadd.s32 $0x640, s10;
	[sflag:s1] =	ssyncadd.s32 $0xFFFFEE00  }
0x37: {  	[hbm4b:s9+s2] =	stream.linear.scatter [tilespmem:s17], [sflag:$0xA], $0x3200, $0x38;
	[tilespmem:$0x12C00] =	vst v63  }
0x38: {  	_ =	swait.ge [sflag:s0], $0x2000  }
0x39: {  	[sflag:s0] =	ssyncset.done $0x0  }
0x3a: {  	[sflag:s0] =	ssyncadd.s32 $0xFFFFE000  }
0x3b: {  	_ =	swait.ge [sflag:s16], $0x1200  }
0x3c: {  	[sflag:s16] =	ssyncset.done $0x0  }
0x3d: {  	s7 =	sadd.s32 $0xC80, s10;
	[sflag:s16] =	ssyncadd.s32 $0xFFFFEE00  }
0x3e: {  	[hbm4b:s7+s2] =	stream.linear.scatter [tilespmem:s21], [sflag:$0xB], $0x3200, $0x38;
	[tilespmem:$0x12C00] =	vst v63  }
0x3f: {  	_ =	swait.ge [sflag:s18], $0x2000  }
0x40: {  	[sflag:s18] =	ssyncset.done $0x0  }
0x41: {  	[sflag:s18] =	ssyncadd.s32 $0xFFFFE000  }
0x42: {  	_ =	swait.ge [sflag:s20], $0x1200  }
0x43: {  	[sflag:s20] =	ssyncset.done $0x0  }
0x44: {  	s8 =	sadd.s32 $0x12C0, s10;
	[sflag:s20] =	ssyncadd.s32 $0xFFFFEE00  }
0x45: {  	[hbm4b:s8+s2] =	stream.linear.scatter [tilespmem:s25], [sflag:$0xC], $0x3200, $0x38;
	[tilespmem:$0x12C00] =	vst v63  }
0x46: {  	_ =	swait.ge [sflag:s22], $0x3200  }
0x47: {  	[sflag:s22] =	ssyncset.done $0x0  }
0x48: {  	s9 =	simm.s32 $0x320;
	[sflag:s22] =	ssyncadd.s32 $0xFFFFCE00  }
0x49: {  	[tilespmem:s13], [sflag:$0x1] =	stream.indirect.gather [hbm4b:s3+s12], $0x40, s9, s12, $0xb8;
	[tilespmem:$0x12C00] =	vst v63  }
0x4a: {  	s7 =	simm.s32 $0x3A0  }
0x4b: {  	[tilespmem:s15], [sflag:$0x5] =	stream.indirect.gather [hbm4b:s3+s14], $0x40, s7, s14, $0xb8;
	[tilespmem:$0x12C00] =	vst v63  }
0x4c: {  	_ =	swait.ge [sflag:s24], $0x3200  }
0x4d: {  	[sflag:s24] =	ssyncset.done $0x0  }
0x4e: {  	s8 =	simm.s32 $0x3E8;
	[sflag:s24] =	ssyncadd.s32 $0xFFFFCE00  }
0x4f: {  	[tilespmem:s17], [sflag:$0x2] =	stream.indirect.gather [hbm4b:s3+s12], $0x40, s8, s12, $0xb8;
	[tilespmem:$0x12C00] =	vst v63  }
0x50: {  	s9 =	simm.s32 $0x468  }
0x51: {  	[tilespmem:s19], [sflag:$0x6] =	stream.indirect.gather [hbm4b:s3+s14], $0x40, s9, s14, $0xb8;
	[tilespmem:$0x12C00] =	vst v63  }
0x52: {  	_ =	swait.ge [sflag:s26], $0x3200  }
0x53: {  	[sflag:s26] =	ssyncset.done $0x0  }
0x54: {  	s7 =	simm.s32 $0x4B0;
	[sflag:s26] =	ssyncadd.s32 $0xFFFFCE00  }
0x55: {  	[tilespmem:s21], [sflag:$0x3] =	stream.indirect.gather [hbm4b:s3+s12], $0x40, s7, s12, $0xb8;
	[tilespmem:$0x12C00] =	vst v63  }
0x56: {  	s8 =	simm.s32 $0x530  }
0x57: {  	[tilespmem:s23], [sflag:$0x7] =	stream.indirect.gather [hbm4b:s3+s14], $0x40, s8, s14, $0xb8;
	[tilespmem:$0x12C00] =	vst v63  }
0x58: {  	_ =	swait.ge [sflag:s4], $0x3200  }
0x59: {  	s6 =	simm.s32 $0xC80;
	s9 =	simm.s32 $0x578;
	[sflag:s4] =	ssyncset.done $0x0  }
0x5a: {  	s7 =	sadd.s32 $0x1900, s10;
	s8 =	simm.s32 $0x5F8;
	[sflag:s4] =	ssyncadd.s32 $0xFFFFCE00  }
0x5b: {  	[tilespmem:s25], [sflag:$0x4] =	stream.indirect.gather [hbm4b:s3+s12], $0x40, s9, s12, $0xb8;
	[tilespmem:$0x12C00] =	vst v63  }
.LBB2_2:
0x5c: {  	[tilespmem:s28], [sflag:$0x8] =	stream.indirect.gather [hbm4b:s3+s14], $0x40, s8, s14, $0xb8;
	[tilespmem:$0x12C00] =	vst v63  }
0x5d: {  	s8 =	smov.u32 s6  }
0x5e: {  	p0 =	sne.s32 s6, $0x17700;
	s6 =	sadd.s32 $0xC80, s6;
	_ =	swait.ge [sflag:s29], $0x2000  }
0x5f: {  	[sflag:s29] =	ssyncset.done $0x0  }
0x60: {  	[sflag:s29] =	ssyncadd.s32 $0xFFFFE000  }
0x61: {  	_ =	swait.ge [sflag:s30], $0x1200  }
0x62: {  	[sflag:s30] =	ssyncset.done $0x0  }
0x63: {  	[sflag:s30] =	ssyncadd.s32 $0xFFFFEE00  }
0x64: {  	[hbm4b:s7+s2] =	stream.linear.scatter [tilespmem:s13], [sflag:$0x9], $0x3200, $0x38;
	[tilespmem:$0x12C00] =	vst v63  }
0x65: {  	_ =	swait.ge [sflag:s31], $0x2000  }
0x66: {  	[sflag:s31] =	ssyncset.done $0x0  }
0x67: {  	[sflag:s31] =	ssyncadd.s32 $0xFFFFE000  }
0x68: {  	_ =	swait.ge [sflag:s1], $0x1200  }
0x69: {  	[sflag:s1] =	ssyncset.done $0x0  }
0x6a: {  	s9 =	sadd.s32 $0x640, s7;
	[sflag:s1] =	ssyncadd.s32 $0xFFFFEE00  }
0x6b: {  	[hbm4b:s9+s2] =	stream.linear.scatter [tilespmem:s17], [sflag:$0xA], $0x3200, $0x38;
	[tilespmem:$0x12C00] =	vst v63  }
0x6c: {  	_ =	swait.ge [sflag:s0], $0x2000  }
0x6d: {  	[sflag:s0] =	ssyncset.done $0x0  }
0x6e: {  	[sflag:s0] =	ssyncadd.s32 $0xFFFFE000  }
0x6f: {  	_ =	swait.ge [sflag:s16], $0x1200  }
0x70: {  	[sflag:s16] =	ssyncset.done $0x0  }
0x71: {  	s9 =	sadd.s32 $0xC80, s7;
	[sflag:s16] =	ssyncadd.s32 $0xFFFFEE00  }
0x72: {  	[hbm4b:s9+s2] =	stream.linear.scatter [tilespmem:s21], [sflag:$0xB], $0x3200, $0x38;
	[tilespmem:$0x12C00] =	vst v63  }
0x73: {  	_ =	swait.ge [sflag:s18], $0x2000  }
0x74: {  	[sflag:s18] =	ssyncset.done $0x0  }
0x75: {  	[sflag:s18] =	ssyncadd.s32 $0xFFFFE000  }
0x76: {  	_ =	swait.ge [sflag:s20], $0x1200  }
0x77: {  	[sflag:s20] =	ssyncset.done $0x0  }
0x78: {  	s9 =	sadd.s32 $0x12C0, s7;
	[sflag:s20] =	ssyncadd.s32 $0xFFFFEE00  }
0x79: {  	[hbm4b:s9+s2] =	stream.linear.scatter [tilespmem:s25], [sflag:$0xC], $0x3200, $0x38;
	[tilespmem:$0x12C00] =	vst v63  }
0x7a: {  	_ =	swait.ge [sflag:s22], $0x3200  }
0x7b: {  	s8 =	sshra.s32 s8, $0x2;
	[sflag:s22] =	ssyncset.done $0x0  }
0x7c: {  	s9 =	sadd.s32 $0x320, s8;
	[sflag:s22] =	ssyncadd.s32 $0xFFFFCE00  }
0x7d: {  	[tilespmem:s13], [sflag:$0x1] =	stream.indirect.gather [hbm4b:s3+s12], $0x40, s9, s12, $0xb8;
	[tilespmem:$0x12C00] =	vst v63  }
0x7e: {  	s9 =	sadd.s32 $0x3A0, s8  }
0x7f: {  	[tilespmem:s15], [sflag:$0x5] =	stream.indirect.gather [hbm4b:s3+s14], $0x40, s9, s14, $0xb8;
	[tilespmem:$0x12C00] =	vst v63  }
0x80: {  	_ =	swait.ge [sflag:s24], $0x3200  }
0x81: {  	[sflag:s24] =	ssyncset.done $0x0  }
0x82: {  	s9 =	sadd.s32 $0x3E8, s8;
	[sflag:s24] =	ssyncadd.s32 $0xFFFFCE00  }
0x83: {  	[tilespmem:s17], [sflag:$0x2] =	stream.indirect.gather [hbm4b:s3+s12], $0x40, s9, s12, $0xb8;
	[tilespmem:$0x12C00] =	vst v63  }
0x84: {  	s9 =	sadd.s32 $0x468, s8  }
0x85: {  	[tilespmem:s19], [sflag:$0x6] =	stream.indirect.gather [hbm4b:s3+s14], $0x40, s9, s14, $0xb8;
	[tilespmem:$0x12C00] =	vst v63  }
0x86: {  	_ =	swait.ge [sflag:s26], $0x3200  }
0x87: {  	[sflag:s26] =	ssyncset.done $0x0  }
0x88: {  	s9 =	sadd.s32 $0x4B0, s8;
	[sflag:s26] =	ssyncadd.s32 $0xFFFFCE00  }
0x89: {  	[tilespmem:s21], [sflag:$0x3] =	stream.indirect.gather [hbm4b:s3+s12], $0x40, s9, s12, $0xb8;
	[tilespmem:$0x12C00] =	vst v63  }
0x8a: {  	s9 =	sadd.s32 $0x530, s8  }
0x8b: {  	[tilespmem:s23], [sflag:$0x7] =	stream.indirect.gather [hbm4b:s3+s14], $0x40, s9, s14, $0xb8;
	[tilespmem:$0x12C00] =	vst v63  }
.Ltmp0:
0x8c: {  	_ =	swait.ge [sflag:s4], $0x3200;
	(pc) =	sbr.rel @p0 .LBB2_2-.Ltmp0, $4  }
0x8d: {  	[sflag:s4] =	ssyncset.done $0x0  }
0x8e: {  	s9 =	sadd.s32 $0x578, s8;
	[sflag:s4] =	ssyncadd.s32 $0xFFFFCE00  }
0x8f: {  	[tilespmem:s25], [sflag:$0x4] =	stream.indirect.gather [hbm4b:s3+s12], $0x40, s9, s12, $0xb8;
	[tilespmem:$0x12C00] =	vst v63  }
0x90: {  	s7 =	sadd.s32 $0x1900, s7;
	s8 =	sadd.s32 $0x5F8, s8  }
0x91: {  	[tilespmem:s28], [sflag:$0x8] =	stream.indirect.gather [hbm4b:s3+s14], $0x40, s8, s14, $0xb8;
	[tilespmem:$0x12C00] =	vst v63  }
0x92: {  	_ =	swait.ge [sflag:s29], $0x2000  }
0x93: {  	[sflag:s29] =	ssyncset.done $0x0  }
0x94: {  	[sflag:s29] =	ssyncadd.s32 $0xFFFFE000  }
0x95: {  	_ =	swait.ge [sflag:s30], $0x1200  }
0x96: {  	[sflag:s30] =	ssyncset.done $0x0  }
0x97: {  	s6 =	rddreg [dreg:$0x4];
	[sflag:s30] =	ssyncadd.s32 $0xFFFFEE00  }
0x98: {  	[hbm4b:s6+s2] =	stream.linear.scatter [tilespmem:s13], [sflag:$0x9], $0x3200, $0x38;
	[tilespmem:$0x12C00] =	vst v63  }
0x99: {  	_ =	swait.ge [sflag:s31], $0x2000  }
0x9a: {  	[sflag:s31] =	ssyncset.done $0x0  }
0x9b: {  	[sflag:s31] =	ssyncadd.s32 $0xFFFFE000  }
0x9c: {  	_ =	swait.ge [sflag:s1], $0x1200  }
0x9d: {  	[sflag:s1] =	ssyncset.done $0x0  }
0x9e: {  	s9 =	rddreg [dreg:$0x5];
	[sflag:s1] =	ssyncadd.s32 $0xFFFFEE00  }
0x9f: {  	[hbm4b:s9+s2] =	stream.linear.scatter [tilespmem:s17], [sflag:$0xA], $0x3200, $0x38;
	[tilespmem:$0x12C00] =	vst v63  }
0xa0: {  	_ =	swait.ge [sflag:s0], $0x2000  }
0xa1: {  	[sflag:s0] =	ssyncset.done $0x0  }
0xa2: {  	[sflag:s0] =	ssyncadd.s32 $0xFFFFE000  }
0xa3: {  	_ =	swait.ge [sflag:s16], $0x1200  }
0xa4: {  	[sflag:s16] =	ssyncset.done $0x0  }
0xa5: {  	s7 =	rddreg [dreg:$0x6];
	[sflag:s16] =	ssyncadd.s32 $0xFFFFEE00  }
0xa6: {  	[hbm4b:s7+s2] =	stream.linear.scatter [tilespmem:s21], [sflag:$0xB], $0x3200, $0x38;
	[tilespmem:$0x12C00] =	vst v63  }
0xa7: {  	_ =	swait.ge [sflag:s18], $0x2000  }
0xa8: {  	[sflag:s18] =	ssyncset.done $0x0  }
0xa9: {  	[sflag:s18] =	ssyncadd.s32 $0xFFFFE000  }
0xaa: {  	_ =	swait.ge [sflag:s20], $0x1200  }
0xab: {  	[sflag:s20] =	ssyncset.done $0x0  }
0xac: {  	s8 =	rddreg [dreg:$0x7];
	[sflag:s20] =	ssyncadd.s32 $0xFFFFEE00  }
0xad: {  	[hbm4b:s8+s2] =	stream.linear.scatter [tilespmem:s25], [sflag:$0xC], $0x3200, $0x38;
	[tilespmem:$0x12C00] =	vst v63  }
0xae: {  	_ =	swait.ge [sflag:s22], $0x3200  }
0xaf: {  	[sflag:s22] =	ssyncset.done $0x0  }
0xb0: {  	[sflag:s22] =	ssyncadd.s32 $0xFFFFCE00  }
0xb1: {  	_ =	swait.ge [sflag:s24], $0x3200  }
0xb2: {  	[sflag:s24] =	ssyncset.done $0x0  }
0xb3: {  	[sflag:s24] =	ssyncadd.s32 $0xFFFFCE00  }
0xb4: {  	_ =	swait.ge [sflag:s26], $0x3200  }
0xb5: {  	[sflag:s26] =	ssyncset.done $0x0  }
0xb6: {  	[sflag:s26] =	ssyncadd.s32 $0xFFFFCE00  }
0xb7: {  	_ =	swait.ge [sflag:s4], $0x3200  }
0xb8: {  	s5 =	sadd.s32 $0x1, s5;
	s9 =	rddreg [dreg:$0x8]  }
0xb9: {  	p0 =	sne.s32 s5, s9  }
.Ltmp1:
0xba: {  	_ = 	snop;
	(pc) =	sbr.rel @p0 .LBB2_1-.Ltmp1, $3  }
0xbb: {  	_ =	sdelay $0x1  }
0xbc: {  	[sflag:s4] =	ssyncset.done $0x0  }
0xbd: {  	[sflag:s4] =	ssyncadd.s32 $0xFFFFCE00  }
0xbe: {  	_ =	sfence.sel $0x180000  }
0xbf: {  	[bflag:$0x0] =	sbarrier.arrive $0xFFFF  }
0xc0: {  	_ =	strace $0x90000047  }
0xc1: {  	s0 =	stileid.u32;
	[bflag:$0x2] =	sbarrier.arrive $0xFFFF  }
0xc2: {  	p0 =	sne.s32 s0, $0x0;
	s0 =	rddreg [dreg:$0x2]  }
0xc3: {  	s0 =	sadd.s32 @!p0 $0x100000, s0  }
0xc4: {  	[sflag:s0] =	ssyncadd.tile.s32 @!p0 $0x1;
	_ =	shalt  }
.Lfunc_end2:
_tile_overlayer_lowered:
.L_overlay_start_2:
0xc5: {  	(tag) =	ssettag $0x2  }
0xc6: {  	s0 =	rddreg [dreg:$0x0];
	s2 =	stileid.u32  }
0xc7: {  	s1 =	rddreg [dreg:$0x1];
	p0 =	sne.s32 s2, $0x0  }
0xc8: {  	s3 =	rddreg [dreg:$0x2];
	[bflag:$0x3] =	sbarrier.arrive $0xFFFF;
	s2 =	simm.s32 @!p0 $0x1C0D  }
0xc9: {  	[timem:s3], [sflag:s2] =	dma.local @!p0 [hbm:s0], s1  }
0xca: {  	s0 =	simm.s32 @!p0 $0xD  }
0xcb: {  	_ =	swait.ge @!p0 [sflag:s0], s1  }
0xcc: {  	s1 =	ssub.s32 @!p0 $0x0, s1;
	[sflag:s0] =	ssyncset.done @!p0 $0x0  }
0xcd: {  	[sflag:s0] =	ssyncadd.s32 @!p0 s1  }
0xce: {  	[bflag:$0x3] =	sbarrier.arrive $0xFFFF  }
0xcf: {  	_ =	shalt  }

// kernel: sparse-core-data-format-call.cloned.1.call-start
scs
called_computation_lowered:
.L_overlay_start_0:
0x0: {  	s2 =	sld [smem:$0x3FD9]  }
0x1: {  	s3 =	sld [smem:$0x3FFE];
	_ =	sdelay $0x1  }
0x2: {  	s1 =	srdreg.scid  }
0x3: {  	s0 =	sand.u32 $0x1, s1  }
0x4: {  	s18 =	sshll.u32 s0, $0xA;
	s2 =	sadd.s32 s3, s2  }
0x5: {  	s2 =	sadd.s32 s2, s18  }
0x6: {  	[smem:$0x3FC6] =	sst s2  }
0x7: {  	_ = 	snop  }
0x8: {  	s2 =	sld [smem:$0x3FD0];
	(tm) =	ssettm $0x1  }
0x9: {  	s19 =	sld [smem:$0x3FFB];
	_ =	sdelay $0x3  }
0xa: {  	_ =	strace s19  }
0xb: {  	s3 =	sld [smem:$0x3FFC];
	_ =	sdelay $0x3  }
0xc: {  	_ =	strace s3  }
0xd: {  	s3 =	sld [smem:$0x3FFD];
	_ =	sdelay $0x3  }
0xe: {  	_ =	strace s3  }
0xf: {  	_ =	strace $0x8FFFFFFF  }
0x10: {  	s20 =	sld [smem:$0x3FDB];
	_ =	sdelay $0x1  }
0x11: {  	s4 =	simm.s32 $_scs_section_size  }
0x12: {  	s5 =	simm.s32 $_size__tile_overlayer_lowered;
	s6 =	simm.s32 $_tile_overlayer_lowered  }
0x13: {  	s23 =	simm.s32 $0x1BFF;
	s22 =	sshll.u32 s6, $0x1;
	s3 =	sadd.s32 s4, s20  }
0x14: {  	s7 =	simm.s32 $0x0;
	s21 =	sshll.u32 s5, $0x1;
	s5 =	sadd.s32 s22, s3  }
0x15: {  	[timem:s7], [sflag:s23] =	dma.local [hbm:s5], s21  }
0x16: {  	_ =	swait.ge [sflag:s23], s21  }
0x17: {  	s4 =	ssub.s32 $0x0, s21;
	[sflag:s23] =	ssyncset.done $0x0  }
0x18: {  	[sflag:s23] =	ssyncadd.s32 s4;
	_ =	sdelay $0x1  }
0x19: {  	s24 =	simm.s32 $0x1B8B  }
0x1a: {  	_ =	swait.ge [sflag:s24], $0x1  }
0x1b: {  	[sflag:s24] =	ssyncset.done $0x0  }
0x1c: {  	s26 =	simm.s32 $0x1B8E;
	s25 =	sld [smem:$0x3FFE];
	[sflag:s24] =	ssyncadd.s32 $0xFFFFFFFF  }
0x1d: {  	s27 =	simm.s32 $execute0_lowered;
	[smem:$0x3FD2] =	sst s26  }
0x1e: {  	s5 =	sshll.u32 s27, $0x1;
	_ =	strace $0x80000049;
	[dreg:$0x1] =	wrdreg $0xFFFFFFFF  }
0x1f: {  	s28 =	simm.s32 $_size_execute0_lowered;
	s3 =	sadd.s32 s3, s5;
	[dreg:$0x0] =	wrdreg $0x0  }
0x20: {  	s5 =	sshll.u32 s28, $0x1;
	[dreg:$0x2] =	wrdreg s3  }
0x21: {  	[dreg:$0x3] =	wrdreg s5  }
0x22: {  	[dreg:$0x4] =	wrdreg $0xC0  }
0x23: {  	_ =	task [dreg:s7], $0x5FFFF  }
0x24: {  	[dreg:$0x1] =	wrdreg $0xFFFFFFFF  }
0x25: {  	[dreg:$0x0] =	wrdreg $0x60  }
0x26: {  	[dreg:$0x2] =	wrdreg s25  }
0x27: {  	[dreg:$0x3] =	wrdreg s2  }
0x28: {  	[dreg:$0x4] =	wrdreg $0x9  }
0x29: {  	_ =	task.clear_ibuf [dreg:s7], $0x5FFFF;
	_ =	strace $0x90000049  }
0x2a: {  	s29 =	simm.s32 $0x9;
	_ =	strace $0x8000004B  }
0x2b: {  	_ =	swait.ge [sflag:s29], $0x1  }
0x2c: {  	[sflag:s29] =	ssyncadd.s32 $0xFFFFFFFF  }
0x2d: {  	_ =	strace $0x9000004B  }
0x2e: {  	_ =	sfence  }
0x2f: {  	s30 =	sld [smem:$0x0];
	_ =	sdelay $0x2  }
0x30: {  	s31 =	sshll.u32 s1, $0xD;
	s1 =	sshrl.u32 s1, $0x2  }
0x31: {  	s3 =	sand.u32 $0x4000, s31;
	s1 =	sadd.s32 s1, s30  }
0x32: {  	s0 =	sor.u32 s3, s0;
	s1 =	sshll.u32 s1, $0x11  }
0x33: {  	s0 =	sor.u32 s1, s0  }
0x34: {  	s0 =	sadd.s32 $0x8F2B, s0  }
0x35: {  	[sflag:s0] =	ssyncadd.remote.s32 $0x1  }
0x36: {  	_ =	sfence.sel $0xFFFF  }
0x37: {  	[dreg:$0x0] =	wrdreg $0xFFFFFFFF;
	(pc) =	sbr.abs _section_cstart, $3  }
0x38: {  	[dreg:$0x1] =	wrdreg $0xFFFFFFFF  }
0x39: {  	_ =	task.clear_ibuf [dreg:s7], $0x2FFFF;
	_ =	strace $0x9FFFFFFF  }
0x3a: {  	(tm) =	ssettm $0x7FFFFFFF  }
0x3b: {  	_ =	shalt  }
tec
execute0_lowered:
.L_overlay_start_1:
0x0: {  	(tag) =	ssettag $0x1  }
0x1: {  	s0 =	srdreg.scid  }
0x2: {  	s1 =	sshll.u32 s0, $0x4  }
0x3: {  	s0 =	stileid.u32;
	s1 =	sand.u32 $0x10, s1  }
0x4: {  	s1 =	sor.u32 s0, s1  }
0x5: {  	s6 =	rddreg [dreg:$0x0];
	s4 =	simm.s32 $0x1;
	s2 =	sshll.u32 s1, $0x7  }
0x6: {  	s7 =	simm.s32 $0x2;
	s12 =	simm.s32 $0x0;
	s1 =	ssub.s32 $0x1000, s2  }
0x7: {  	s8 =	simm.s32 $0x8000;
	s13 =	simm.s32 $0x0;
	s3 =	sand.u32 $0xF80, s1  }
0x8: {  	s9 =	simm.s32 $0x0;
	s5 =	sshrl.u32 s1, $0xC;
	p0 =	sne.s32 s3, $0x0  }
.Ltmp0:
0x9: {  	s1 =	rddreg [dreg:$0x2];
	s4 =	simm.s32 @!p0 $0x0;
	(pc) =	sbr.rel .LBB1_1-.Ltmp0, $4  }
0xa: {  	s11 =	simm.s32 $0x0;
	s3 =	rddreg [dreg:$0x1];
	s5 =	sadd.s32 s4, s5  }
0xb: {  	_ =	strace $0x8000004A;
	s4 =	simm.s32 $0x1;
	s5 =	smul.u32 $0xC8, s5  }
0xc: {  	s6 =	sadd.s32 $0xA00, s6;
	s10 =	smov.u32 s2;
	[sflag:s4] =	ssyncpa.u1 $0x0  }
0xd: {  	p0 =	por $0x0, $0x0;
	[sflag:s7] =	ssyncpa.u1 $0x0;
	s7 =	sor.u32 $0x1, s5  }
.LBB1_4:
0xe: {  	s16 =	sshll.u32 s13, $0x3;
	s17 =	sand.u32 $0x78, s13  }
0xf: {  	s30 =	sand.u32 $0x7E00, s13;
	s12 =	sshll.u32 s12, $0xF;
	s16 =	sand.u32 $0xC00, s16  }
0x10: {  	[tilespmem:s15+$0x810 ss:$0x81] =	vst.msk $0xffff, v2;
	s31 =	sand.u32 $0x7, s13;
	s16 =	sor.u32 s17, s16;
	s17 =	sadd.s32 s3, s30  }
0x11: {  	[tilespmem:s15+$0x1020 ss:$0x81] =	vst.msk $0xffff, v0;
	s13 =	sshll.u32 s31, $0x12;
	s12 =	sadd.s32 s12, s17;
	s16 =	sshrl.u32 s16, $0x3  }
0x12: {  	[tilespmem:s15+$0x0 ss:$0x81] =	vst.msk $0xffff, v1;
	s13 =	sor.u32 $0x400, s13;
	s12 =	sadd.s32 s16, s12  }
0x13: {  	[hbm4b:s12+s13] =	stream.strided.scatter [tilespmem:s14], [sflag:$0x2], $0x2000, s8, s13, $0x20;
	[tilespmem:$0x8080] =	vst v63  }
.LBB1_5:
0x14: {  	s14 =	sadd.s32 $0x1, s9  }
0x15: {  	s12 =	sadd.s32 $0x1000, s10;
	s16 =	smov.u32 s10;
	p2 =	sgt.s32 s14, $0xC7  }
0x16: {  	s16 =	smov.u32 @p2 s12  }
0x17: {  	s14 =	simm.s32 @p2 $0x0;
	p2 =	sgt.s32 s16, $0xFFF  }
0x18: {  	s16 =	smov.u32 @p2 s2;
	p2 =	sne.s32 s11, s7  }
.Ltmp1:
0x19: {  	p1 =	slt.u32 s11, $0x2;
	(pc) =	sbr.rel @!p2 .LBB1_6-.Ltmp1, $4  }
0x1a: {  	s15 =	simm.s32 @!p1 $0x2  }
0x1b: {  	s13 =	smov.u32 s10;
	p0 =	por !p0, !p0;
	_ =	swait.ge @!p1 [sflag:s15], $0x2000  }
0x1c: {  	s12 =	smov.u32 s9;
	[sflag:s15] =	ssyncset.done @!p1 $0x0;
	s9 =	smov.u32 s14  }
0x1d: {  	s11 =	sadd.s32 $0x1, s11;
	[sflag:s15] =	ssyncadd.s32 @!p1 $0xFFFFE000;
	s10 =	smov.u32 s16  }
.LBB1_1:
0x1e: {  	p1 =	sge.u32 s11, s5  }
0x1f: {  	s14 =	sand.u32 @!p1 $0x1FFFFFF, s9  }
0x20: {  	s15 =	smulhi.u32 @!p1 $0x147AE15, s14;
	_ =	sdelay $0x1  }
0x21: {  	s15 =	smul.u32 @!p1 $0xC8, s15  }
0x22: {  	s16 =	sxor.u32 @!p1 $0xFFFFFFFF, s11;
	s17 =	smul.u32 @!p1 $0xC80, s10  }
0x23: {  	s31 =	sadd.s32 $0xFFFFFFFF, s11;
	s16 =	sshll.u32 @!p1 s16, $0xD;
	s14 =	ssub.s32 @!p1 s14, s15  }
0x24: {  	s15 =	sand.u32 @!p1 $0x2000, s16;
	s16 =	sadd.s32 @!p1 s6, s17;
	s14 =	sshll.u32 @!p1 s14, $0x4  }
0x25: {  	s17 =	simm.s32 @!p1 $0x6400;
	s14 =	sadd.s32 @!p1 s14, s16;
	s16 =	simm.s32 @!p1 $0x40  }
0x26: {  	[tilespmem:s15], [sflag:$0x1] =	stream.strided.gather @!p1 [hbm4b:s14+s16], $0x2000, s17, s16, $0x38;
	[tilespmem:$0x8080] =	vst v63  }
0x27: {  	p1 =	sge.u32 s31, s5  }
.Ltmp2:
0x28: {  	_ = 	snop;
	(pc) =	sbr.rel @p1 .LBB1_5-.Ltmp2, $1  }
0x29: {  	_ =	sdelay $0x3  }
0x2a: {  	s14 =	simm.s32 $0x1  }
0x2b: {  	_ =	swait.ge [sflag:s4], $0x2000;
	s14 =	simm.s32 @!p0 $0x0  }
0x2c: {  	[sflag:s4] =	ssyncset.done $0x0;
	s15 =	sshll.u32 s14, $0xD  }
0x2d: {  	[sflag:s4] =	ssyncadd.s32 $0xFFFFE000;
	s18 =	sor.u32 $0x20, s15  }
0x2e: {  	s14 =	smul.u32 $0x8100, s14;
	v3 =	vld [tilespmem:s18+$0x10]  }
0x2f: {  	s30 =	sand.u32 $0x1, s11;
	v2 =	vld [tilespmem:s18+$0xFFFFFFF0]  }
0x30: {  	s15 =	smul.u32 $0x8100, s30;
	s14 =	sshrl.u32 s14, $0x2;
	v0 =	vld [tilespmem:s18+$0x0]  }
0x31: {  	v1 =	vld [tilespmem:s18+$0xFFFFFFE0];
	s16 =	sor.u32 $0x4000, s14  }
0x32: {  	s31 =	sshrl.u32 s15, $0x2;
	s15 =	sadd.s32 $0x0, s16  }
0x33: {  	s17 =	simm.s32 $0x4;
	s18 =	sadd.s32 $0x40, s18;
	s14 =	sor.u32 $0x4000, s31;
	[tilespmem:s15+$0x1830 ss:$0x81] =	vst.msk $0xffff, v3  }
.LBB1_3:
0x34: {  	v3 =	vld [tilespmem:s18+$0x10];
	p1 =	sne.s32 s17, $0x1FC;
	[tilespmem:s15+$0x810 ss:$0x81] =	vst.msk $0xffff, v2;
	s19 =	smov.u32 s17;
	s17 =	sadd.s32 $0x4, s17  }
.Ltmp3:
0x35: {  	v2 =	vld [tilespmem:s18+$0xFFFFFFF0];
	[tilespmem:s15+$0x1020 ss:$0x81] =	vst.msk $0xffff, v0;
	(pc) =	sbr.rel @p1 .LBB1_3-.Ltmp3, $4  }
0x36: {  	v0 =	vld [tilespmem:s18+$0x0];
	[tilespmem:s15+$0x0 ss:$0x81] =	vst.msk $0xffff, v1  }
0x37: {  	s15 =	sshra.s32 s19, $0x2;
	v1 =	vld [tilespmem:s18+$0xFFFFFFE0]  }
0x38: {  	s15 =	sadd.s32 s15, s16  }
0x39: {  	s18 =	sadd.s32 $0x40, s18;
	[tilespmem:s15+$0x1830 ss:$0x81] =	vst.msk $0xffff, v3  }
.Ltmp4:
0x3a: {  	_ = 	snop;
	(pc) =	sbr.rel .LBB1_4-.Ltmp4, $1  }
0x3b: {  	_ =	sdelay $0x3  }
.LBB1_6:
0x3c: {  	_ =	sfence.sel $0x180000  }
0x3d: {  	s2 =	simm.s32 $0x1;
	[bflag:$0x0] =	sbarrier.arrive $0xFFFF  }
0x3e: {  	s31 =	simm.s32 $0x2;
	[sflag:s2] =	ssyncpa.u1 $0x1  }
0x3f: {  	[sflag:s31] =	ssyncpa.u1 $0x1  }
0x40: {  	p0 =	sne.s32 s0, $0x0;
	_ =	strace $0x9000004A  }
0x41: {  	s0 =	sadd.s32 @!p0 $0x100000, s1;
	[bflag:$0x2] =	sbarrier.arrive $0xFFFF  }
0x42: {  	[sflag:s0] =	ssyncadd.tile.s32 @!p0 $0x1;
	_ =	shalt  }
.Lfunc_end1:
_tile_overlayer_lowered:
.L_overlay_start_2:
0x43: {  	(tag) =	ssettag $0x2  }
0x44: {  	s0 =	rddreg [dreg:$0x0];
	s2 =	stileid.u32  }
0x45: {  	s1 =	rddreg [dreg:$0x1];
	p0 =	sne.s32 s2, $0x0  }
0x46: {  	s3 =	rddreg [dreg:$0x2];
	[bflag:$0x3] =	sbarrier.arrive $0xFFFF;
	s2 =	simm.s32 @!p0 $0x1C01  }
0x47: {  	[timem:s3], [sflag:s2] =	dma.local @!p0 [hbm:s0], s1  }
0x48: {  	s0 =	simm.s32 @!p0 $0x1  }
0x49: {  	_ =	swait.ge @!p0 [sflag:s0], s1  }
0x4a: {  	s1 =	ssub.s32 @!p0 $0x0, s1;
	[sflag:s0] =	ssyncset.done @!p0 $0x0  }
0x4b: {  	[sflag:s0] =	ssyncadd.s32 @!p0 s1  }
0x4c: {  	[bflag:$0x3] =	sbarrier.arrive $0xFFFF  }
0x4d: {  	_ =	shalt  }

</sc_bundles>
